<compile_context>
chip_gen: v7x
topology: tpu7x:2x2x1
jax: 0.10.2.dev20260603
libtpu: 0.0.44.dev20260713+nightly
codegen_flags: <defaults>
</compile_context>

<pallas_src>
import functools

import jax
import jax.numpy as jnp
from jax import lax
from jax.experimental import pallas as pl
from jax.experimental.pallas import tpu as pltpu
from jax.experimental.pallas import tpu_sc as plsc

BATCH = 16384
LANES = 16
NUM_CORES = 2
NUM_SUBCORES = 16
NUM_WORKERS_TOTAL = NUM_CORES * NUM_SUBCORES
BPW = BATCH // NUM_WORKERS_TOTAL


def _gem_body(win_hbm, los_hbm, ann_hbm, rewards_hbm, betas_hbm, out_hbm,
              idx_w, idx_l, idx_a, rw_v, rl_v, bt_v, out_v, sem):
  wid = lax.axis_index("s") * NUM_CORES + lax.axis_index("c")
  base = wid * BPW

  c1 = pltpu.async_copy(win_hbm.at[pl.ds(base, BPW)], idx_w, sem)
  c2 = pltpu.async_copy(los_hbm.at[pl.ds(base, BPW)], idx_l, sem)
  c3 = pltpu.async_copy(ann_hbm.at[pl.ds(base, BPW)], idx_a, sem)
  c1.wait()
  c2.wait()
  c3.wait()

  rewards_row = rewards_hbm.at[0]
  g1 = pltpu.async_copy(rewards_row.at[idx_w], rw_v, sem)
  g2 = pltpu.async_copy(rewards_row.at[idx_l], rl_v, sem)
  g3 = pltpu.async_copy(betas_hbm.at[idx_a], bt_v, sem)
  g1.wait()
  g2.wait()
  g3.wait()

  for i in range(BPW // LANES):
    s = pl.ds(i * LANES, LANES)
    out_v[s] = bt_v[s] * (rw_v[s] - rl_v[s])

  pltpu.sync_copy(out_v, out_hbm.at[pl.ds(base, BPW)])


@functools.partial(
    pl.kernel,
    out_type=jax.ShapeDtypeStruct((BATCH,), jnp.float32),
    mesh=plsc.VectorSubcoreMesh(core_axis_name="c", subcore_axis_name="s"),
    scratch_types=[
        pltpu.VMEM((BPW,), jnp.int32),
        pltpu.VMEM((BPW,), jnp.int32),
        pltpu.VMEM((BPW,), jnp.int32),
        pltpu.VMEM((BPW,), jnp.float32),
        pltpu.VMEM((BPW,), jnp.float32),
        pltpu.VMEM((BPW,), jnp.float32),
        pltpu.VMEM((BPW,), jnp.float32),
        pltpu.SemaphoreType.DMA,
    ],
)
def _gem_kernel(win_hbm, los_hbm, ann_hbm, rewards_hbm, betas_hbm, out_hbm,
                idx_w, idx_l, idx_a, rw_v, rl_v, bt_v, out_v, sem):
  _gem_body(win_hbm, los_hbm, ann_hbm, rewards_hbm, betas_hbm, out_hbm,
            idx_w, idx_l, idx_a, rw_v, rl_v, bt_v, out_v, sem)


def kernel(winners, losers, annotators, item_rewards, worker_betas):
  return _gem_kernel(winners, losers, annotators,
                     item_rewards.T, worker_betas.reshape(-1))

# --- scband reference (transcript-rebuilt; emitter-appended) ---
"""Pipeline reference for scband-gradient-em-31860067402343 (READ-ONLY COPY).

The authoritative reference and input builder live on the scoring server;
editing this copy changes nothing except your own understanding.
"""

import jax, jax.numpy as jnp
import numpy as np

NUM_ITEMS = 1000000
NUM_WORKERS = 1000
BATCH = 16384

def setup_inputs(seed: int = 0) -> dict:
    key = jax.random.key(seed)
    k1, k2, k3, k4, k5 = jax.random.split(key, 5)
    winners = jax.random.randint(k1, (BATCH,), 0, NUM_ITEMS, dtype=jnp.int64 if jax.config.jax_enable_x64 else jnp.int32)
    losers = jax.random.randint(k2, (BATCH,), 0, NUM_ITEMS, dtype=jnp.int64 if jax.config.jax_enable_x64 else jnp.int32)
    annotators = jax.random.randint(k3, (BATCH,), 0, NUM_WORKERS, dtype=jnp.int64 if jax.config.jax_enable_x64 else jnp.int32)
    # item_rewards: normal(0,1), then centered to zero mean (matches torch init)
    item_rewards = jax.random.normal(k4, (NUM_ITEMS, 1), dtype=jnp.float32)
    item_rewards = item_rewards - item_rewards.mean()
    # worker_betas: uniform(-1, 1)
    worker_betas = jax.random.uniform(k5, (NUM_WORKERS, 1), dtype=jnp.float32, minval=-1.0, maxval=1.0)
    return {
        "winners": winners,
        "losers": losers,
        "annotators": annotators,
        "item_rewards": item_rewards,
        "worker_betas": worker_betas,
    }

def reference(winners, losers, annotators, item_rewards, worker_betas):
    # embedding lookups -> gather rows
    r_w = jnp.take(item_rewards, winners, axis=0)      # [B, 1]
    r_l = jnp.take(item_rewards, losers, axis=0)       # [B, 1]
    beta_s = jnp.take(worker_betas, annotators, axis=0)  # [B, 1]
    logits = beta_s * (r_w - r_l)                      # [B, 1]
    return jnp.squeeze(logits)                         # [B]

if __name__ == "__main__":
    import jax
    _d = setup_inputs()
    print(jax.jit(kernel)(*tuple(_d.values())))

</pallas_src>

<mosaic_0001>
#map = affine_map<(d0, d1) -> (0)>
#map1 = affine_map<(d0, d1) -> (0, 0)>
module attributes {stable_mosaic.version = 14 : i64} {
  func.func @_gem_kernel(%arg0: i32, %arg1: i32, %arg2: memref<16384xi32, #tpu.memory_space<hbm>>, %arg3: memref<16384xi32, #tpu.memory_space<hbm>>, %arg4: memref<16384xi32, #tpu.memory_space<hbm>>, %arg5: memref<1x1000000xf32, #tpu.memory_space<hbm>>, %arg6: memref<1000xf32, #tpu.memory_space<hbm>>, %arg7: memref<16384xf32, #tpu.memory_space<hbm>>, %arg8: memref<512xi32, #tpu.memory_space<vmem>>, %arg9: memref<512xi32, #tpu.memory_space<vmem>>, %arg10: memref<512xi32, #tpu.memory_space<vmem>>, %arg11: memref<512xf32, #tpu.memory_space<vmem>>, %arg12: memref<512xf32, #tpu.memory_space<vmem>>, %arg13: memref<512xf32, #tpu.memory_space<vmem>>, %arg14: memref<512xf32, #tpu.memory_space<vmem>>, %arg15: memref<!tpu.dma_semaphore, #tpu.memory_space<semaphore_mem>>) attributes {dimension_semantics = [#tpu.dimension_semantics<core_parallel>, #tpu.dimension_semantics<subcore_parallel>], iteration_bounds = array<i64: 2, 16>, scalar_prefetch = 0 : i64, scratch_operands = 8 : i64, tpu.core_type = #tpu.core_type<sc_vector_subcore>, window_params = [{transform_indices = #map}, {transform_indices = #map}, {transform_indices = #map}, {transform_indices = #map1}, {transform_indices = #map}, {transform_indices = #map}]} {
    %mul3A = arith.constant 2 : i32
    %mul3A_0 = arith.muli %arg1, %mul3A : i32
    %add3A = arith.addi %mul3A_0, %arg0 : i32
    %mul3A_1 = arith.constant 512 : i32
    %mul3A_2 = arith.muli %add3A, %mul3A_1 : i32
    %dma_start3A = tpu.memref_slice %arg2[%mul3A_2] : memref<16384xi32, #tpu.memory_space<hbm>> -> memref<512xi32, #tpu.memory_space<hbm>>
    %dma_start3A_3 = tpu.memref_slice %arg2[%mul3A_2] : memref<16384xi32, #tpu.memory_space<hbm>> -> memref<512xi32, #tpu.memory_space<hbm>>
    tpu.enqueue_dma source(%dma_start3A_3 : memref<512xi32, #tpu.memory_space<hbm>>) target(%arg8 : memref<512xi32, #tpu.memory_space<vmem>>) target_semaphore(%arg15 : memref<!tpu.dma_semaphore, #tpu.memory_space<semaphore_mem>>)
    %dma_start3A_4 = tpu.memref_slice %arg3[%mul3A_2] : memref<16384xi32, #tpu.memory_space<hbm>> -> memref<512xi32, #tpu.memory_space<hbm>>
    %dma_start3A_5 = tpu.memref_slice %arg3[%mul3A_2] : memref<16384xi32, #tpu.memory_space<hbm>> -> memref<512xi32, #tpu.memory_space<hbm>>
    tpu.enqueue_dma source(%dma_start3A_5 : memref<512xi32, #tpu.memory_space<hbm>>) target(%arg9 : memref<512xi32, #tpu.memory_space<vmem>>) target_semaphore(%arg15 : memref<!tpu.dma_semaphore, #tpu.memory_space<semaphore_mem>>)
    %dma_start3A_6 = tpu.memref_slice %arg4[%mul3A_2] : memref<16384xi32, #tpu.memory_space<hbm>> -> memref<512xi32, #tpu.memory_space<hbm>>
    %dma_start3A_7 = tpu.memref_slice %arg4[%mul3A_2] : memref<16384xi32, #tpu.memory_space<hbm>> -> memref<512xi32, #tpu.memory_space<hbm>>
    tpu.enqueue_dma source(%dma_start3A_7 : memref<512xi32, #tpu.memory_space<hbm>>) target(%arg10 : memref<512xi32, #tpu.memory_space<vmem>>) target_semaphore(%arg15 : memref<!tpu.dma_semaphore, #tpu.memory_space<semaphore_mem>>)
    %dma_wait3A = tpu.memref_slice %arg2[%mul3A_2] : memref<16384xi32, #tpu.memory_space<hbm>> -> memref<512xi32, #tpu.memory_space<hbm>>
    %dma_wait3A_8 = tpu.memref_slice %arg2[%mul3A_2] : memref<16384xi32, #tpu.memory_space<hbm>> -> memref<512xi32, #tpu.memory_space<hbm>>
    tpu.wait_dma2 semaphore(%arg15 : memref<!tpu.dma_semaphore, #tpu.memory_space<semaphore_mem>>) src(%dma_wait3A_8 : memref<512xi32, #tpu.memory_space<hbm>>) dst(%arg8 : memref<512xi32, #tpu.memory_space<vmem>>)
    %dma_wait3A_9 = tpu.memref_slice %arg3[%mul3A_2] : memref<16384xi32, #tpu.memory_space<hbm>> -> memref<512xi32, #tpu.memory_space<hbm>>
    %dma_wait3A_10 = tpu.memref_slice %arg3[%mul3A_2] : memref<16384xi32, #tpu.memory_space<hbm>> -> memref<512xi32, #tpu.memory_space<hbm>>
    tpu.wait_dma2 semaphore(%arg15 : memref<!tpu.dma_semaphore, #tpu.memory_space<semaphore_mem>>) src(%dma_wait3A_10 : memref<512xi32, #tpu.memory_space<hbm>>) dst(%arg9 : memref<512xi32, #tpu.memory_space<vmem>>)
    %dma_wait3A_11 = tpu.memref_slice %arg4[%mul3A_2] : memref<16384xi32, #tpu.memory_space<hbm>> -> memref<512xi32, #tpu.memory_space<hbm>>
    %dma_wait3A_12 = tpu.memref_slice %arg4[%mul3A_2] : memref<16384xi32, #tpu.memory_space<hbm>> -> memref<512xi32, #tpu.memory_space<hbm>>
    tpu.wait_dma2 semaphore(%arg15 : memref<!tpu.dma_semaphore, #tpu.memory_space<semaphore_mem>>) src(%dma_wait3A_12 : memref<512xi32, #tpu.memory_space<hbm>>) dst(%arg10 : memref<512xi32, #tpu.memory_space<vmem>>)
    %dma_start3A_13 = arith.constant 0 : i32
    %dma_start3A_14 = arith.constant 0 : i32
    %dma_start3A_15 = tpu.memref_slice %arg5[%dma_start3A_13, %dma_start3A_14] : memref<1x1000000xf32, #tpu.memory_space<hbm>> -> memref<1x1000000xf32, #tpu.memory_space<hbm>>
    %dma_start3A_16 = tpu.memref_squeeze %dma_start3A_15 : memref<1x1000000xf32, #tpu.memory_space<hbm>> -> memref<1000000xf32, #tpu.memory_space<hbm>>
    %dma_start3A_17 = arith.constant 0 : i32
    %dma_start3A_18 = tpu.memref_slice %dma_start3A_16[%dma_start3A_17] : memref<1000000xf32, #tpu.memory_space<hbm>> -> memref<1000000xf32, #tpu.memory_space<hbm>>
    tpu.enqueue_indirect_dma source(%dma_start3A_18 : memref<1000000xf32, #tpu.memory_space<hbm>>) target(%arg11 : memref<512xf32, #tpu.memory_space<vmem>>) offsets(%arg8 : memref<512xi32, #tpu.memory_space<vmem>>) semaphore(%arg15 : memref<!tpu.dma_semaphore, #tpu.memory_space<semaphore_mem>>)
    %dma_start3A_19 = arith.constant 0 : i32
    %dma_start3A_20 = arith.constant 0 : i32
    %dma_start3A_21 = tpu.memref_slice %arg5[%dma_start3A_19, %dma_start3A_20] : memref<1x1000000xf32, #tpu.memory_space<hbm>> -> memref<1x1000000xf32, #tpu.memory_space<hbm>>
    %dma_start3A_22 = tpu.memref_squeeze %dma_start3A_21 : memref<1x1000000xf32, #tpu.memory_space<hbm>> -> memref<1000000xf32, #tpu.memory_space<hbm>>
    %dma_start3A_23 = arith.constant 0 : i32
    %dma_start3A_24 = tpu.memref_slice %dma_start3A_22[%dma_start3A_23] : memref<1000000xf32, #tpu.memory_space<hbm>> -> memref<1000000xf32, #tpu.memory_space<hbm>>
    tpu.enqueue_indirect_dma source(%dma_start3A_24 : memref<1000000xf32, #tpu.memory_space<hbm>>) target(%arg12 : memref<512xf32, #tpu.memory_space<vmem>>) offsets(%arg9 : memref<512xi32, #tpu.memory_space<vmem>>) semaphore(%arg15 : memref<!tpu.dma_semaphore, #tpu.memory_space<semaphore_mem>>)
    %dma_start3A_25 = arith.constant 0 : i32
    %dma_start3A_26 = tpu.memref_slice %arg6[%dma_start3A_25] : memref<1000xf32, #tpu.memory_space<hbm>> -> memref<1000xf32, #tpu.memory_space<hbm>>
    tpu.enqueue_indirect_dma source(%dma_start3A_26 : memref<1000xf32, #tpu.memory_space<hbm>>) target(%arg13 : memref<512xf32, #tpu.memory_space<vmem>>) offsets(%arg10 : memref<512xi32, #tpu.memory_space<vmem>>) semaphore(%arg15 : memref<!tpu.dma_semaphore, #tpu.memory_space<semaphore_mem>>)
    %dma_wait3A_27 = arith.constant 0 : i32
    %dma_wait3A_28 = arith.constant 0 : i32
    %dma_wait3A_29 = tpu.memref_slice %arg5[%dma_wait3A_27, %dma_wait3A_28] : memref<1x1000000xf32, #tpu.memory_space<hbm>> -> memref<1x1000000xf32, #tpu.memory_space<hbm>>
    %dma_wait3A_30 = tpu.memref_squeeze %dma_wait3A_29 : memref<1x1000000xf32, #tpu.memory_space<hbm>> -> memref<1000000xf32, #tpu.memory_space<hbm>>
    %dma_wait3A_31 = arith.constant 0 : i32
    %dma_wait3A_32 = tpu.memref_slice %dma_wait3A_30[%dma_wait3A_31] : memref<1000000xf32, #tpu.memory_space<hbm>> -> memref<1000000xf32, #tpu.memory_space<hbm>>
    tpu.wait_indirect_dma semaphore(%arg15 : memref<!tpu.dma_semaphore, #tpu.memory_space<semaphore_mem>>) src(%dma_wait3A_32 : memref<1000000xf32, #tpu.memory_space<hbm>>) dst(%arg11 : memref<512xf32, #tpu.memory_space<vmem>>)
    %dma_wait3A_33 = arith.constant 0 : i32
    %dma_wait3A_34 = arith.constant 0 : i32
    %dma_wait3A_35 = tpu.memref_slice %arg5[%dma_wait3A_33, %dma_wait3A_34] : memref<1x1000000xf32, #tpu.memory_space<hbm>> -> memref<1x1000000xf32, #tpu.memory_space<hbm>>
    %dma_wait3A_36 = tpu.memref_squeeze %dma_wait3A_35 : memref<1x1000000xf32, #tpu.memory_space<hbm>> -> memref<1000000xf32, #tpu.memory_space<hbm>>
    %dma_wait3A_37 = arith.constant 0 : i32
    %dma_wait3A_38 = tpu.memref_slice %dma_wait3A_36[%dma_wait3A_37] : memref<1000000xf32, #tpu.memory_space<hbm>> -> memref<1000000xf32, #tpu.memory_space<hbm>>
    tpu.wait_indirect_dma semaphore(%arg15 : memref<!tpu.dma_semaphore, #tpu.memory_space<semaphore_mem>>) src(%dma_wait3A_38 : memref<1000000xf32, #tpu.memory_space<hbm>>) dst(%arg12 : memref<512xf32, #tpu.memory_space<vmem>>)
    %dma_wait3A_39 = arith.constant 0 : i32
    %dma_wait3A_40 = tpu.memref_slice %arg6[%dma_wait3A_39] : memref<1000xf32, #tpu.memory_space<hbm>> -> memref<1000xf32, #tpu.memory_space<hbm>>
    tpu.wait_indirect_dma semaphore(%arg15 : memref<!tpu.dma_semaphore, #tpu.memory_space<semaphore_mem>>) src(%dma_wait3A_40 : memref<1000xf32, #tpu.memory_space<hbm>>) dst(%arg13 : memref<512xf32, #tpu.memory_space<vmem>>)
    %get3A = arith.constant 0 : index
    %get3A_41 = tpu.vector_load %arg13[%get3A] {strides = array<i32>} : memref<512xf32, #tpu.memory_space<vmem>>, vector<16xf32>,
    %get3A_42 = vector.shape_cast %get3A_41 : vector<16xf32> to vector<16xf32>
    %get3A_43 = arith.constant 0 : index
    %get3A_44 = tpu.vector_load %arg11[%get3A_43] {strides = array<i32>} : memref<512xf32, #tpu.memory_space<vmem>>, vector<16xf32>,
    %get3A_45 = vector.shape_cast %get3A_44 : vector<16xf32> to vector<16xf32>
    %get3A_46 = arith.constant 0 : index
    %get3A_47 = tpu.vector_load %arg12[%get3A_46] {strides = array<i32>} : memref<512xf32, #tpu.memory_space<vmem>>, vector<16xf32>,
    %get3A_48 = vector.shape_cast %get3A_47 : vector<16xf32> to vector<16xf32>
    %sub3A = arith.subf %get3A_45, %get3A_48 : vector<16xf32>
    %mul3A_49 = arith.mulf %get3A_42, %sub3A : vector<16xf32>
    %swap3A = arith.constant 0 : index
    %swap3A_50 = tpu.vector_load %arg14[%swap3A] {strides = array<i32>} : memref<512xf32, #tpu.memory_space<vmem>>, vector<16xf32>,
    %swap3A_51 = vector.shape_cast %swap3A_50 : vector<16xf32> to vector<16xf32>
    %swap3A_52 = vector.shape_cast %mul3A_49 : vector<16xf32> to vector<16xf32>
    tpu.vector_store %arg14[%swap3A], %swap3A_52 {strides = array<i32>} : memref<512xf32, #tpu.memory_space<vmem>>, vector<16xf32>,
    %get3A_53 = arith.constant 16 : index
    %get3A_54 = tpu.vector_load %arg13[%get3A_53] {strides = array<i32>} : memref<512xf32, #tpu.memory_space<vmem>>, vector<16xf32>,
    %get3A_55 = vector.shape_cast %get3A_54 : vector<16xf32> to vector<16xf32>
    %get3A_56 = arith.constant 16 : index
    %get3A_57 = tpu.vector_load %arg11[%get3A_56] {strides = array<i32>} : memref<512xf32, #tpu.memory_space<vmem>>, vector<16xf32>,
    %get3A_58 = vector.shape_cast %get3A_57 : vector<16xf32> to vector<16xf32>
    %get3A_59 = arith.constant 16 : index
    %get3A_60 = tpu.vector_load %arg12[%get3A_59] {strides = array<i32>} : memref<512xf32, #tpu.memory_space<vmem>>, vector<16xf32>,
    %get3A_61 = vector.shape_cast %get3A_60 : vector<16xf32> to vector<16xf32>
    %sub3A_62 = arith.subf %get3A_58, %get3A_61 : vector<16xf32>
    %mul3A_63 = arith.mulf %get3A_55, %sub3A_62 : vector<16xf32>
    %swap3A_64 = arith.constant 16 : index
    %swap3A_65 = tpu.vector_load %arg14[%swap3A_64] {strides = array<i32>} : memref<512xf32, #tpu.memory_space<vmem>>, vector<16xf32>,
    %swap3A_66 = vector.shape_cast %swap3A_65 : vector<16xf32> to vector<16xf32>
    %swap3A_67 = vector.shape_cast %mul3A_63 : vector<16xf32> to vector<16xf32>
    tpu.vector_store %arg14[%swap3A_64], %swap3A_67 {strides = array<i32>} : memref<512xf32, #tpu.memory_space<vmem>>, vector<16xf32>,
    %get3A_68 = arith.constant 32 : index
    %get3A_69 = tpu.vector_load %arg13[%get3A_68] {strides = array<i32>} : memref<512xf32, #tpu.memory_space<vmem>>, vector<16xf32>,
    %get3A_70 = vector.shape_cast %get3A_69 : vector<16xf32> to vector<16xf32>
    %get3A_71 = arith.constant 32 : index
    %get3A_72 = tpu.vector_load %arg11[%get3A_71] {strides = array<i32>} : memref<512xf32, #tpu.memory_space<vmem>>, vector<16xf32>,
    %get3A_73 = vector.shape_cast %get3A_72 : vector<16xf32> to vector<16xf32>
    %get3A_74 = arith.constant 32 : index
    %get3A_75 = tpu.vector_load %arg12[%get3A_74] {strides = array<i32>} : memref<512xf32, #tpu.memory_space<vmem>>, vector<16xf32>,
    %get3A_76 = vector.shape_cast %get3A_75 : vector<16xf32> to vector<16xf32>
    %sub3A_77 = arith.subf %get3A_73, %get3A_76 : vector<16xf32>
    %mul3A_78 = arith.mulf %get3A_70, %sub3A_77 : vector<16xf32>
    %swap3A_79 = arith.constant 32 : index
    %swap3A_80 = tpu.vector_load %arg14[%swap3A_79] {strides = array<i32>} : memref<512xf32, #tpu.memory_space<vmem>>, vector<16xf32>,
    %swap3A_81 = vector.shape_cast %swap3A_80 : vector<16xf32> to vector<16xf32>
    %swap3A_82 = vector.shape_cast %mul3A_78 : vector<16xf32> to vector<16xf32>
    tpu.vector_store %arg14[%swap3A_79], %swap3A_82 {strides = array<i32>} : memref<512xf32, #tpu.memory_space<vmem>>, vector<16xf32>,
    %get3A_83 = arith.constant 48 : index
    %get3A_84 = tpu.vector_load %arg13[%get3A_83] {strides = array<i32>} : memref<512xf32, #tpu.memory_space<vmem>>, vector<16xf32>,
    %get3A_85 = vector.shape_cast %get3A_84 : vector<16xf32> to vector<16xf32>
    %get3A_86 = arith.constant 48 : index
    %get3A_87 = tpu.vector_load %arg11[%get3A_86] {strides = array<i32>} : memref<512xf32, #tpu.memory_space<vmem>>, vector<16xf32>,
    %get3A_88 = vector.shape_cast %get3A_87 : vector<16xf32> to vector<16xf32>
    %get3A_89 = arith.constant 48 : index
    %get3A_90 = tpu.vector_load %arg12[%get3A_89] {strides = array<i32>} : memref<512xf32, #tpu.memory_space<vmem>>, vector<16xf32>,
    %get3A_91 = vector.shape_cast %get3A_90 : vector<16xf32> to vector<16xf32>
    %sub3A_92 = arith.subf %get3A_88, %get3A_91 : vector<16xf32>
    %mul3A_93 = arith.mulf %get3A_85, %sub3A_92 : vector<16xf32>
    %swap3A_94 = arith.constant 48 : index
    %swap3A_95 = tpu.vector_load %arg14[%swap3A_94] {strides = array<i32>} : memref<512xf32, #tpu.memory_space<vmem>>, vector<16xf32>,
    %swap3A_96 = vector.shape_cast %swap3A_95 : vector<16xf32> to vector<16xf32>
    %swap3A_97 = vector.shape_cast %mul3A_93 : vector<16xf32> to vector<16xf32>
    tpu.vector_store %arg14[%swap3A_94], %swap3A_97 {strides = array<i32>} : memref<512xf32, #tpu.memory_space<vmem>>, vector<16xf32>,
    %get3A_98 = arith.constant 64 : index
    %get3A_99 = tpu.vector_load %arg13[%get3A_98] {strides = array<i32>} : memref<512xf32, #tpu.memory_space<vmem>>, vector<16xf32>,
    %get3A_100 = vector.shape_cast %get3A_99 : vector<16xf32> to vector<16xf32>
    %get3A_101 = arith.constant 64 : index
    %get3A_102 = tpu.vector_load %arg11[%get3A_101] {strides = array<i32>} : memref<512xf32, #tpu.memory_space<vmem>>, vector<16xf32>,
    %get3A_103 = vector.shape_cast %get3A_102 : vector<16xf32> to vector<16xf32>
    %get3A_104 = arith.constant 64 : index
    %get3A_105 = tpu.vector_load %arg12[%get3A_104] {strides = array<i32>} : memref<512xf32, #tpu.memory_space<vmem>>, vector<16xf32>,
    %get3A_106 = vector.shape_cast %get3A_105 : vector<16xf32> to vector<16xf32>
    %sub3A_107 = arith.subf %get3A_103, %get3A_106 : vector<16xf32>
    %mul3A_108 = arith.mulf %get3A_100, %sub3A_107 : vector<16xf32>
    %swap3A_109 = arith.constant 64 : index
    %swap3A_110 = tpu.vector_load %arg14[%swap3A_109] {strides = array<i32>} : memref<512xf32, #tpu.memory_space<vmem>>, vector<16xf32>,
    %swap3A_111 = vector.shape_cast %swap3A_110 : vector<16xf32> to vector<16xf32>
    %swap3A_112 = vector.shape_cast %mul3A_108 : vector<16xf32> to vector<16xf32>
    tpu.vector_store %arg14[%swap3A_109], %swap3A_112 {strides = array<i32>} : memref<512xf32, #tpu.memory_space<vmem>>, vector<16xf32>,
    %get3A_113 = arith.constant 80 : index
    %get3A_114 = tpu.vector_load %arg13[%get3A_113] {strides = array<i32>} : memref<512xf32, #tpu.memory_space<vmem>>, vector<16xf32>,
    %get3A_115 = vector.shape_cast %get3A_114 : vector<16xf32> to vector<16xf32>
    %get3A_116 = arith.constant 80 : index
    %get3A_117 = tpu.vector_load %arg11[%get3A_116] {strides = array<i32>} : memref<512xf32, #tpu.memory_space<vmem>>, vector<16xf32>,
    %get3A_118 = vector.shape_cast %get3A_117 : vector<16xf32> to vector<16xf32>
    %get3A_119 = arith.constant 80 : index
    %get3A_120 = tpu.vector_load %arg12[%get3A_119] {strides = array<i32>} : memref<512xf32, #tpu.memory_space<vmem>>, vector<16xf32>,
    %get3A_121 = vector.shape_cast %get3A_120 : vector<16xf32> to vector<16xf32>
    %sub3A_122 = arith.subf %get3A_118, %get3A_121 : vector<16xf32>
    %mul3A_123 = arith.mulf %get3A_115, %sub3A_122 : vector<16xf32>
    %swap3A_124 = arith.constant 80 : index
    %swap3A_125 = tpu.vector_load %arg14[%swap3A_124] {strides = array<i32>} : memref<512xf32, #tpu.memory_space<vmem>>, vector<16xf32>,
    %swap3A_126 = vector.shape_cast %swap3A_125 : vector<16xf32> to vector<16xf32>
    %swap3A_127 = vector.shape_cast %mul3A_123 : vector<16xf32> to vector<16xf32>
    tpu.vector_store %arg14[%swap3A_124], %swap3A_127 {strides = array<i32>} : memref<512xf32, #tpu.memory_space<vmem>>, vector<16xf32>,
    %get3A_128 = arith.constant 96 : index
    %get3A_129 = tpu.vector_load %arg13[%get3A_128] {strides = array<i32>} : memref<512xf32, #tpu.memory_space<vmem>>, vector<16xf32>,
    %get3A_130 = vector.shape_cast %get3A_129 : vector<16xf32> to vector<16xf32>
    %get3A_131 = arith.constant 96 : index
    %get3A_132 = tpu.vector_load %arg11[%get3A_131] {strides = array<i32>} : memref<512xf32, #tpu.memory_space<vmem>>, vector<16xf32>,
    %get3A_133 = vector.shape_cast %get3A_132 : vector<16xf32> to vector<16xf32>
    %get3A_134 = arith.constant 96 : index
    %get3A_135 = tpu.vector_load %arg12[%get3A_134] {strides = array<i32>} : memref<512xf32, #tpu.memory_space<vmem>>, vector<16xf32>,
    %get3A_136 = vector.shape_cast %get3A_135 : vector<16xf32> to vector<16xf32>
    %sub3A_137 = arith.subf %get3A_133, %get3A_136 : vector<16xf32>
    %mul3A_138 = arith.mulf %get3A_130, %sub3A_137 : vector<16xf32>
    %swap3A_139 = arith.constant 96 : index
    %swap3A_140 = tpu.vector_load %arg14[%swap3A_139] {strides = array<i32>} : memref<512xf32, #tpu.memory_space<vmem>>, vector<16xf32>,
    %swap3A_141 = vector.shape_cast %swap3A_140 : vector<16xf32> to vector<16xf32>
    %swap3A_142 = vector.shape_cast %mul3A_138 : vector<16xf32> to vector<16xf32>
    tpu.vector_store %arg14[%swap3A_139], %swap3A_142 {strides = array<i32>} : memref<512xf32, #tpu.memory_space<vmem>>, vector<16xf32>,
    %get3A_143 = arith.constant 112 : index
    %get3A_144 = tpu.vector_load %arg13[%get3A_143] {strides = array<i32>} : memref<512xf32, #tpu.memory_space<vmem>>, vector<16xf32>,
    %get3A_145 = vector.shape_cast %get3A_144 : vector<16xf32> to vector<16xf32>
    %get3A_146 = arith.constant 112 : index
    %get3A_147 = tpu.vector_load %arg11[%get3A_146] {strides = array<i32>} : memref<512xf32, #tpu.memory_space<vmem>>, vector<16xf32>,
    %get3A_148 = vector.shape_cast %get3A_147 : vector<16xf32> to vector<16xf32>
    %get3A_149 = arith.constant 112 : index
    %get3A_150 = tpu.vector_load %arg12[%get3A_149] {strides = array<i32>} : memref<512xf32, #tpu.memory_space<vmem>>, vector<16xf32>,
    %get3A_151 = vector.shape_cast %get3A_150 : vector<16xf32> to vector<16xf32>
    %sub3A_152 = arith.subf %get3A_148, %get3A_151 : vector<16xf32>
    %mul3A_153 = arith.mulf %get3A_145, %sub3A_152 : vector<16xf32>
    %swap3A_154 = arith.constant 112 : index
    %swap3A_155 = tpu.vector_load %arg14[%swap3A_154] {strides = array<i32>} : memref<512xf32, #tpu.memory_space<vmem>>, vector<16xf32>,
    %swap3A_156 = vector.shape_cast %swap3A_155 : vector<16xf32> to vector<16xf32>
    %swap3A_157 = vector.shape_cast %mul3A_153 : vector<16xf32> to vector<16xf32>
    tpu.vector_store %arg14[%swap3A_154], %swap3A_157 {strides = array<i32>} : memref<512xf32, #tpu.memory_space<vmem>>, vector<16xf32>,
    %get3A_158 = arith.constant 128 : index
    %get3A_159 = tpu.vector_load %arg13[%get3A_158] {strides = array<i32>} : memref<512xf32, #tpu.memory_space<vmem>>, vector<16xf32>,
    %get3A_160 = vector.shape_cast %get3A_159 : vector<16xf32> to vector<16xf32>
    %get3A_161 = arith.constant 128 : index
    %get3A_162 = tpu.vector_load %arg11[%get3A_161] {strides = array<i32>} : memref<512xf32, #tpu.memory_space<vmem>>, vector<16xf32>,
    %get3A_163 = vector.shape_cast %get3A_162 : vector<16xf32> to vector<16xf32>
    %get3A_164 = arith.constant 128 : index
    %get3A_165 = tpu.vector_load %arg12[%get3A_164] {strides = array<i32>} : memref<512xf32, #tpu.memory_space<vmem>>, vector<16xf32>,
    %get3A_166 = vector.shape_cast %get3A_165 : vector<16xf32> to vector<16xf32>
    %sub3A_167 = arith.subf %get3A_163, %get3A_166 : vector<16xf32>
    %mul3A_168 = arith.mulf %get3A_160, %sub3A_167 : vector<16xf32>
    %swap3A_169 = arith.constant 128 : index
    %swap3A_170 = tpu.vector_load %arg14[%swap3A_169] {strides = array<i32>} : memref<512xf32, #tpu.memory_space<vmem>>, vector<16xf32>,
    %swap3A_171 = vector.shape_cast %swap3A_170 : vector<16xf32> to vector<16xf32>
    %swap3A_172 = vector.shape_cast %mul3A_168 : vector<16xf32> to vector<16xf32>
    tpu.vector_store %arg14[%swap3A_169], %swap3A_172 {strides = array<i32>} : memref<512xf32, #tpu.memory_space<vmem>>, vector<16xf32>,
    %get3A_173 = arith.constant 144 : index
    %get3A_174 = tpu.vector_load %arg13[%get3A_173] {strides = array<i32>} : memref<512xf32, #tpu.memory_space<vmem>>, vector<16xf32>,
    %get3A_175 = vector.shape_cast %get3A_174 : vector<16xf32> to vector<16xf32>
    %get3A_176 = arith.constant 144 : index
    %get3A_177 = tpu.vector_load %arg11[%get3A_176] {strides = array<i32>} : memref<512xf32, #tpu.memory_space<vmem>>, vector<16xf32>,
    %get3A_178 = vector.shape_cast %get3A_177 : vector<16xf32> to vector<16xf32>
    %get3A_179 = arith.constant 144 : index
    %get3A_180 = tpu.vector_load %arg12[%get3A_179] {strides = array<i32>} : memref<512xf32, #tpu.memory_space<vmem>>, vector<16xf32>,
    %get3A_181 = vector.shape_cast %get3A_180 : vector<16xf32> to vector<16xf32>
    %sub3A_182 = arith.subf %get3A_178, %get3A_181 : vector<16xf32>
    %mul3A_183 = arith.mulf %get3A_175, %sub3A_182 : vector<16xf32>
    %swap3A_184 = arith.constant 144 : index
    %swap3A_185 = tpu.vector_load %arg14[%swap3A_184] {strides = array<i32>} : memref<512xf32, #tpu.memory_space<vmem>>, vector<16xf32>,
    %swap3A_186 = vector.shape_cast %swap3A_185 : vector<16xf32> to vector<16xf32>
    %swap3A_187 = vector.shape_cast %mul3A_183 : vector<16xf32> to vector<16xf32>
    tpu.vector_store %arg14[%swap3A_184], %swap3A_187 {strides = array<i32>} : memref<512xf32, #tpu.memory_space<vmem>>, vector<16xf32>,
    %get3A_188 = arith.constant 160 : index
    %get3A_189 = tpu.vector_load %arg13[%get3A_188] {strides = array<i32>} : memref<512xf32, #tpu.memory_space<vmem>>, vector<16xf32>,
    %get3A_190 = vector.shape_cast %get3A_189 : vector<16xf32> to vector<16xf32>
    %get3A_191 = arith.constant 160 : index
    %get3A_192 = tpu.vector_load %arg11[%get3A_191] {strides = array<i32>} : memref<512xf32, #tpu.memory_space<vmem>>, vector<16xf32>,
    %get3A_193 = vector.shape_cast %get3A_192 : vector<16xf32> to vector<16xf32>
    %get3A_194 = arith.constant 160 : index
    %get3A_195 = tpu.vector_load %arg12[%get3A_194] {strides = array<i32>} : memref<512xf32, #tpu.memory_space<vmem>>, vector<16xf32>,
    %get3A_196 = vector.shape_cast %get3A_195 : vector<16xf32> to vector<16xf32>
    %sub3A_197 = arith.subf %get3A_193, %get3A_196 : vector<16xf32>
    %mul3A_198 = arith.mulf %get3A_190, %sub3A_197 : vector<16xf32>
    %swap3A_199 = arith.constant 160 : index
    %swap3A_200 = tpu.vector_load %arg14[%swap3A_199] {strides = array<i32>} : memref<512xf32, #tpu.memory_space<vmem>>, vector<16xf32>,
    %swap3A_201 = vector.shape_cast %swap3A_200 : vector<16xf32> to vector<16xf32>
    %swap3A_202 = vector.shape_cast %mul3A_198 : vector<16xf32> to vector<16xf32>
    tpu.vector_store %arg14[%swap3A_199], %swap3A_202 {strides = array<i32>} : memref<512xf32, #tpu.memory_space<vmem>>, vector<16xf32>,
    %get3A_203 = arith.constant 176 : index
    %get3A_204 = tpu.vector_load %arg13[%get3A_203] {strides = array<i32>} : memref<512xf32, #tpu.memory_space<vmem>>, vector<16xf32>,
    %get3A_205 = vector.shape_cast %get3A_204 : vector<16xf32> to vector<16xf32>
    %get3A_206 = arith.constant 176 : index
    %get3A_207 = tpu.vector_load %arg11[%get3A_206] {strides = array<i32>} : memref<512xf32, #tpu.memory_space<vmem>>, vector<16xf32>,
    %get3A_208 = vector.shape_cast %get3A_207 : vector<16xf32> to vector<16xf32>
    %get3A_209 = arith.constant 176 : index
    %get3A_210 = tpu.vector_load %arg12[%get3A_209] {strides = array<i32>} : memref<512xf32, #tpu.memory_space<vmem>>, vector<16xf32>,
    %get3A_211 = vector.shape_cast %get3A_210 : vector<16xf32> to vector<16xf32>
    %sub3A_212 = arith.subf %get3A_208, %get3A_211 : vector<16xf32>
    %mul3A_213 = arith.mulf %get3A_205, %sub3A_212 : vector<16xf32>
    %swap3A_214 = arith.constant 176 : index
    %swap3A_215 = tpu.vector_load %arg14[%swap3A_214] {strides = array<i32>} : memref<512xf32, #tpu.memory_space<vmem>>, vector<16xf32>,
    %swap3A_216 = vector.shape_cast %swap3A_215 : vector<16xf32> to vector<16xf32>
    %swap3A_217 = vector.shape_cast %mul3A_213 : vector<16xf32> to vector<16xf32>
    tpu.vector_store %arg14[%swap3A_214], %swap3A_217 {strides = array<i32>} : memref<512xf32, #tpu.memory_space<vmem>>, vector<16xf32>,
    %get3A_218 = arith.constant 192 : index
    %get3A_219 = tpu.vector_load %arg13[%get3A_218] {strides = array<i32>} : memref<512xf32, #tpu.memory_space<vmem>>, vector<16xf32>,
    %get3A_220 = vector.shape_cast %get3A_219 : vector<16xf32> to vector<16xf32>
    %get3A_221 = arith.constant 192 : index
    %get3A_222 = tpu.vector_load %arg11[%get3A_221] {strides = array<i32>} : memref<512xf32, #tpu.memory_space<vmem>>, vector<16xf32>,
    %get3A_223 = vector.shape_cast %get3A_222 : vector<16xf32> to vector<16xf32>
    %get3A_224 = arith.constant 192 : index
    %get3A_225 = tpu.vector_load %arg12[%get3A_224] {strides = array<i32>} : memref<512xf32, #tpu.memory_space<vmem>>, vector<16xf32>,
    %get3A_226 = vector.shape_cast %get3A_225 : vector<16xf32> to vector<16xf32>
    %sub3A_227 = arith.subf %get3A_223, %get3A_226 : vector<16xf32>
    %mul3A_228 = arith.mulf %get3A_220, %sub3A_227 : vector<16xf32>
    %swap3A_229 = arith.constant 192 : index
    %swap3A_230 = tpu.vector_load %arg14[%swap3A_229] {strides = array<i32>} : memref<512xf32, #tpu.memory_space<vmem>>, vector<16xf32>,
    %swap3A_231 = vector.shape_cast %swap3A_230 : vector<16xf32> to vector<16xf32>
    %swap3A_232 = vector.shape_cast %mul3A_228 : vector<16xf32> to vector<16xf32>
    tpu.vector_store %arg14[%swap3A_229], %swap3A_232 {strides = array<i32>} : memref<512xf32, #tpu.memory_space<vmem>>, vector<16xf32>,
    %get3A_233 = arith.constant 208 : index
    %get3A_234 = tpu.vector_load %arg13[%get3A_233] {strides = array<i32>} : memref<512xf32, #tpu.memory_space<vmem>>, vector<16xf32>,
    %get3A_235 = vector.shape_cast %get3A_234 : vector<16xf32> to vector<16xf32>
    %get3A_236 = arith.constant 208 : index
    %get3A_237 = tpu.vector_load %arg11[%get3A_236] {strides = array<i32>} : memref<512xf32, #tpu.memory_space<vmem>>, vector<16xf32>,
    %get3A_238 = vector.shape_cast %get3A_237 : vector<16xf32> to vector<16xf32>
    %get3A_239 = arith.constant 208 : index
    %get3A_240 = tpu.vector_load %arg12[%get3A_239] {strides = array<i32>} : memref<512xf32, #tpu.memory_space<vmem>>, vector<16xf32>,
    %get3A_241 = vector.shape_cast %get3A_240 : vector<16xf32> to vector<16xf32>
    %sub3A_242 = arith.subf %get3A_238, %get3A_241 : vector<16xf32>
    %mul3A_243 = arith.mulf %get3A_235, %sub3A_242 : vector<16xf32>
    %swap3A_244 = arith.constant 208 : index
    %swap3A_245 = tpu.vector_load %arg14[%swap3A_244] {strides = array<i32>} : memref<512xf32, #tpu.memory_space<vmem>>, vector<16xf32>,
    %swap3A_246 = vector.shape_cast %swap3A_245 : vector<16xf32> to vector<16xf32>
    %swap3A_247 = vector.shape_cast %mul3A_243 : vector<16xf32> to vector<16xf32>
    tpu.vector_store %arg14[%swap3A_244], %swap3A_247 {strides = array<i32>} : memref<512xf32, #tpu.memory_space<vmem>>, vector<16xf32>,
    %get3A_248 = arith.constant 224 : index
    %get3A_249 = tpu.vector_load %arg13[%get3A_248] {strides = array<i32>} : memref<512xf32, #tpu.memory_space<vmem>>, vector<16xf32>,
    %get3A_250 = vector.shape_cast %get3A_249 : vector<16xf32> to vector<16xf32>
    %get3A_251 = arith.constant 224 : index
    %get3A_252 = tpu.vector_load %arg11[%get3A_251] {strides = array<i32>} : memref<512xf32, #tpu.memory_space<vmem>>, vector<16xf32>,
    %get3A_253 = vector.shape_cast %get3A_252 : vector<16xf32> to vector<16xf32>
    %get3A_254 = arith.constant 224 : index
    %get3A_255 = tpu.vector_load %arg12[%get3A_254] {strides = array<i32>} : memref<512xf32, #tpu.memory_space<vmem>>, vector<16xf32>,
    %get3A_256 = vector.shape_cast %get3A_255 : vector<16xf32> to vector<16xf32>
    %sub3A_257 = arith.subf %get3A_253, %get3A_256 : vector<16xf32>
    %mul3A_258 = arith.mulf %get3A_250, %sub3A_257 : vector<16xf32>
    %swap3A_259 = arith.constant 224 : index
    %swap3A_260 = tpu.vector_load %arg14[%swap3A_259] {strides = array<i32>} : memref<512xf32, #tpu.memory_space<vmem>>, vector<16xf32>,
    %swap3A_261 = vector.shape_cast %swap3A_260 : vector<16xf32> to vector<16xf32>
    %swap3A_262 = vector.shape_cast %mul3A_258 : vector<16xf32> to vector<16xf32>
    tpu.vector_store %arg14[%swap3A_259], %swap3A_262 {strides = array<i32>} : memref<512xf32, #tpu.memory_space<vmem>>, vector<16xf32>,
    %get3A_263 = arith.constant 240 : index
    %get3A_264 = tpu.vector_load %arg13[%get3A_263] {strides = array<i32>} : memref<512xf32, #tpu.memory_space<vmem>>, vector<16xf32>,
    %get3A_265 = vector.shape_cast %get3A_264 : vector<16xf32> to vector<16xf32>
    %get3A_266 = arith.constant 240 : index
    %get3A_267 = tpu.vector_load %arg11[%get3A_266] {strides = array<i32>} : memref<512xf32, #tpu.memory_space<vmem>>, vector<16xf32>,
    %get3A_268 = vector.shape_cast %get3A_267 : vector<16xf32> to vector<16xf32>
    %get3A_269 = arith.constant 240 : index
    %get3A_270 = tpu.vector_load %arg12[%get3A_269] {strides = array<i32>} : memref<512xf32, #tpu.memory_space<vmem>>, vector<16xf32>,
    %get3A_271 = vector.shape_cast %get3A_270 : vector<16xf32> to vector<16xf32>
    %sub3A_272 = arith.subf %get3A_268, %get3A_271 : vector<16xf32>
    %mul3A_273 = arith.mulf %get3A_265, %sub3A_272 : vector<16xf32>
    %swap3A_274 = arith.constant 240 : index
    %swap3A_275 = tpu.vector_load %arg14[%swap3A_274] {strides = array<i32>} : memref<512xf32, #tpu.memory_space<vmem>>, vector<16xf32>,
    %swap3A_276 = vector.shape_cast %swap3A_275 : vector<16xf32> to vector<16xf32>
    %swap3A_277 = vector.shape_cast %mul3A_273 : vector<16xf32> to vector<16xf32>
    tpu.vector_store %arg14[%swap3A_274], %swap3A_277 {strides = array<i32>} : memref<512xf32, #tpu.memory_space<vmem>>, vector<16xf32>,
    %get3A_278 = arith.constant 256 : index
    %get3A_279 = tpu.vector_load %arg13[%get3A_278] {strides = array<i32>} : memref<512xf32, #tpu.memory_space<vmem>>, vector<16xf32>,
    %get3A_280 = vector.shape_cast %get3A_279 : vector<16xf32> to vector<16xf32>
    %get3A_281 = arith.constant 256 : index
    %get3A_282 = tpu.vector_load %arg11[%get3A_281] {strides = array<i32>} : memref<512xf32, #tpu.memory_space<vmem>>, vector<16xf32>,
    %get3A_283 = vector.shape_cast %get3A_282 : vector<16xf32> to vector<16xf32>
    %get3A_284 = arith.constant 256 : index
    %get3A_285 = tpu.vector_load %arg12[%get3A_284] {strides = array<i32>} : memref<512xf32, #tpu.memory_space<vmem>>, vector<16xf32>,
    %get3A_286 = vector.shape_cast %get3A_285 : vector<16xf32> to vector<16xf32>
    %sub3A_287 = arith.subf %get3A_283, %get3A_286 : vector<16xf32>
    %mul3A_288 = arith.mulf %get3A_280, %sub3A_287 : vector<16xf32>
    %swap3A_289 = arith.constant 256 : index
    %swap3A_290 = tpu.vector_load %arg14[%swap3A_289] {strides = array<i32>} : memref<512xf32, #tpu.memory_space<vmem>>, vector<16xf32>,
    %swap3A_291 = vector.shape_cast %swap3A_290 : vector<16xf32> to vector<16xf32>
    %swap3A_292 = vector.shape_cast %mul3A_288 : vector<16xf32> to vector<16xf32>
    tpu.vector_store %arg14[%swap3A_289], %swap3A_292 {strides = array<i32>} : memref<512xf32, #tpu.memory_space<vmem>>, vector<16xf32>,
    %get3A_293 = arith.constant 272 : index
    %get3A_294 = tpu.vector_load %arg13[%get3A_293] {strides = array<i32>} : memref<512xf32, #tpu.memory_space<vmem>>, vector<16xf32>,
    %get3A_295 = vector.shape_cast %get3A_294 : vector<16xf32> to vector<16xf32>
    %get3A_296 = arith.constant 272 : index
    %get3A_297 = tpu.vector_load %arg11[%get3A_296] {strides = array<i32>} : memref<512xf32, #tpu.memory_space<vmem>>, vector<16xf32>,
    %get3A_298 = vector.shape_cast %get3A_297 : vector<16xf32> to vector<16xf32>
    %get3A_299 = arith.constant 272 : index
    %get3A_300 = tpu.vector_load %arg12[%get3A_299] {strides = array<i32>} : memref<512xf32, #tpu.memory_space<vmem>>, vector<16xf32>,
    %get3A_301 = vector.shape_cast %get3A_300 : vector<16xf32> to vector<16xf32>
    %sub3A_302 = arith.subf %get3A_298, %get3A_301 : vector<16xf32>
    %mul3A_303 = arith.mulf %get3A_295, %sub3A_302 : vector<16xf32>
    %swap3A_304 = arith.constant 272 : index
    %swap3A_305 = tpu.vector_load %arg14[%swap3A_304] {strides = array<i32>} : memref<512xf32, #tpu.memory_space<vmem>>, vector<16xf32>,
    %swap3A_306 = vector.shape_cast %swap3A_305 : vector<16xf32> to vector<16xf32>
    %swap3A_307 = vector.shape_cast %mul3A_303 : vector<16xf32> to vector<16xf32>
    tpu.vector_store %arg14[%swap3A_304], %swap3A_307 {strides = array<i32>} : memref<512xf32, #tpu.memory_space<vmem>>, vector<16xf32>,
    %get3A_308 = arith.constant 288 : index
    %get3A_309 = tpu.vector_load %arg13[%get3A_308] {strides = array<i32>} : memref<512xf32, #tpu.memory_space<vmem>>, vector<16xf32>,
    %get3A_310 = vector.shape_cast %get3A_309 : vector<16xf32> to vector<16xf32>
    %get3A_311 = arith.constant 288 : index
    %get3A_312 = tpu.vector_load %arg11[%get3A_311] {strides = array<i32>} : memref<512xf32, #tpu.memory_space<vmem>>, vector<16xf32>,
    %get3A_313 = vector.shape_cast %get3A_312 : vector<16xf32> to vector<16xf32>
    %get3A_314 = arith.constant 288 : index
    %get3A_315 = tpu.vector_load %arg12[%get3A_314] {strides = array<i32>} : memref<512xf32, #tpu.memory_space<vmem>>, vector<16xf32>,
    %get3A_316 = vector.shape_cast %get3A_315 : vector<16xf32> to vector<16xf32>
    %sub3A_317 = arith.subf %get3A_313, %get3A_316 : vector<16xf32>
    %mul3A_318 = arith.mulf %get3A_310, %sub3A_317 : vector<16xf32>
    %swap3A_319 = arith.constant 288 : index
    %swap3A_320 = tpu.vector_load %arg14[%swap3A_319] {strides = array<i32>} : memref<512xf32, #tpu.memory_space<vmem>>, vector<16xf32>,
    %swap3A_321 = vector.shape_cast %swap3A_320 : vector<16xf32> to vector<16xf32>
    %swap3A_322 = vector.shape_cast %mul3A_318 : vector<16xf32> to vector<16xf32>
    tpu.vector_store %arg14[%swap3A_319], %swap3A_322 {strides = array<i32>} : memref<512xf32, #tpu.memory_space<vmem>>, vector<16xf32>,
    %get3A_323 = arith.constant 304 : index
    %get3A_324 = tpu.vector_load %arg13[%get3A_323] {strides = array<i32>} : memref<512xf32, #tpu.memory_space<vmem>>, vector<16xf32>,
    %get3A_325 = vector.shape_cast %get3A_324 : vector<16xf32> to vector<16xf32>
    %get3A_326 = arith.constant 304 : index
    %get3A_327 = tpu.vector_load %arg11[%get3A_326] {strides = array<i32>} : memref<512xf32, #tpu.memory_space<vmem>>, vector<16xf32>,
    %get3A_328 = vector.shape_cast %get3A_327 : vector<16xf32> to vector<16xf32>
    %get3A_329 = arith.constant 304 : index
    %get3A_330 = tpu.vector_load %arg12[%get3A_329] {strides = array<i32>} : memref<512xf32, #tpu.memory_space<vmem>>, vector<16xf32>,
    %get3A_331 = vector.shape_cast %get3A_330 : vector<16xf32> to vector<16xf32>
    %sub3A_332 = arith.subf %get3A_328, %get3A_331 : vector<16xf32>
    %mul3A_333 = arith.mulf %get3A_325, %sub3A_332 : vector<16xf32>
    %swap3A_334 = arith.constant 304 : index
    %swap3A_335 = tpu.vector_load %arg14[%swap3A_334] {strides = array<i32>} : memref<512xf32, #tpu.memory_space<vmem>>, vector<16xf32>,
    %swap3A_336 = vector.shape_cast %swap3A_335 : vector<16xf32> to vector<16xf32>
    %swap3A_337 = vector.shape_cast %mul3A_333 : vector<16xf32> to vector<16xf32>
    tpu.vector_store %arg14[%swap3A_334], %swap3A_337 {strides = array<i32>} : memref<512xf32, #tpu.memory_space<vmem>>, vector<16xf32>,
    %get3A_338 = arith.constant 320 : index
    %get3A_339 = tpu.vector_load %arg13[%get3A_338] {strides = array<i32>} : memref<512xf32, #tpu.memory_space<vmem>>, vector<16xf32>,
    %get3A_340 = vector.shape_cast %get3A_339 : vector<16xf32> to vector<16xf32>
    %get3A_341 = arith.constant 320 : index
    %get3A_342 = tpu.vector_load %arg11[%get3A_341] {strides = array<i32>} : memref<512xf32, #tpu.memory_space<vmem>>, vector<16xf32>,
    %get3A_343 = vector.shape_cast %get3A_342 : vector<16xf32> to vector<16xf32>
    %get3A_344 = arith.constant 320 : index
    %get3A_345 = tpu.vector_load %arg12[%get3A_344] {strides = array<i32>} : memref<512xf32, #tpu.memory_space<vmem>>, vector<16xf32>,
    %get3A_346 = vector.shape_cast %get3A_345 : vector<16xf32> to vector<16xf32>
    %sub3A_347 = arith.subf %get3A_343, %get3A_346 : vector<16xf32>
    %mul3A_348 = arith.mulf %get3A_340, %sub3A_347 : vector<16xf32>
    %swap3A_349 = arith.constant 320 : index
    %swap3A_350 = tpu.vector_load %arg14[%swap3A_349] {strides = array<i32>} : memref<512xf32, #tpu.memory_space<vmem>>, vector<16xf32>,
    %swap3A_351 = vector.shape_cast %swap3A_350 : vector<16xf32> to vector<16xf32>
    %swap3A_352 = vector.shape_cast %mul3A_348 : vector<16xf32> to vector<16xf32>
    tpu.vector_store %arg14[%swap3A_349], %swap3A_352 {strides = array<i32>} : memref<512xf32, #tpu.memory_space<vmem>>, vector<16xf32>,
    %get3A_353 = arith.constant 336 : index
    %get3A_354 = tpu.vector_load %arg13[%get3A_353] {strides = array<i32>} : memref<512xf32, #tpu.memory_space<vmem>>, vector<16xf32>,
    %get3A_355 = vector.shape_cast %get3A_354 : vector<16xf32> to vector<16xf32>
    %get3A_356 = arith.constant 336 : index
    %get3A_357 = tpu.vector_load %arg11[%get3A_356] {strides = array<i32>} : memref<512xf32, #tpu.memory_space<vmem>>, vector<16xf32>,
    %get3A_358 = vector.shape_cast %get3A_357 : vector<16xf32> to vector<16xf32>
    %get3A_359 = arith.constant 336 : index
    %get3A_360 = tpu.vector_load %arg12[%get3A_359] {strides = array<i32>} : memref<512xf32, #tpu.memory_space<vmem>>, vector<16xf32>,
    %get3A_361 = vector.shape_cast %get3A_360 : vector<16xf32> to vector<16xf32>
    %sub3A_362 = arith.subf %get3A_358, %get3A_361 : vector<16xf32>
    %mul3A_363 = arith.mulf %get3A_355, %sub3A_362 : vector<16xf32>
    %swap3A_364 = arith.constant 336 : index
    %swap3A_365 = tpu.vector_load %arg14[%swap3A_364] {strides = array<i32>} : memref<512xf32, #tpu.memory_space<vmem>>, vector<16xf32>,
    %swap3A_366 = vector.shape_cast %swap3A_365 : vector<16xf32> to vector<16xf32>
    %swap3A_367 = vector.shape_cast %mul3A_363 : vector<16xf32> to vector<16xf32>
    tpu.vector_store %arg14[%swap3A_364], %swap3A_367 {strides = array<i32>} : memref<512xf32, #tpu.memory_space<vmem>>, vector<16xf32>,
    %get3A_368 = arith.constant 352 : index
    %get3A_369 = tpu.vector_load %arg13[%get3A_368] {strides = array<i32>} : memref<512xf32, #tpu.memory_space<vmem>>, vector<16xf32>,
    %get3A_370 = vector.shape_cast %get3A_369 : vector<16xf32> to vector<16xf32>
    %get3A_371 = arith.constant 352 : index
    %get3A_372 = tpu.vector_load %arg11[%get3A_371] {strides = array<i32>} : memref<512xf32, #tpu.memory_space<vmem>>, vector<16xf32>,
    %get3A_373 = vector.shape_cast %get3A_372 : vector<16xf32> to vector<16xf32>
    %get3A_374 = arith.constant 352 : index
    %get3A_375 = tpu.vector_load %arg12[%get3A_374] {strides = array<i32>} : memref<512xf32, #tpu.memory_space<vmem>>, vector<16xf32>,
    %get3A_376 = vector.shape_cast %get3A_375 : vector<16xf32> to vector<16xf32>
    %sub3A_377 = arith.subf %get3A_373, %get3A_376 : vector<16xf32>
    %mul3A_378 = arith.mulf %get3A_370, %sub3A_377 : vector<16xf32>
    %swap3A_379 = arith.constant 352 : index
    %swap3A_380 = tpu.vector_load %arg14[%swap3A_379] {strides = array<i32>} : memref<512xf32, #tpu.memory_space<vmem>>, vector<16xf32>,
    %swap3A_381 = vector.shape_cast %swap3A_380 : vector<16xf32> to vector<16xf32>
    %swap3A_382 = vector.shape_cast %mul3A_378 : vector<16xf32> to vector<16xf32>
    tpu.vector_store %arg14[%swap3A_379], %swap3A_382 {strides = array<i32>} : memref<512xf32, #tpu.memory_space<vmem>>, vector<16xf32>,
    %get3A_383 = arith.constant 368 : index
    %get3A_384 = tpu.vector_load %arg13[%get3A_383] {strides = array<i32>} : memref<512xf32, #tpu.memory_space<vmem>>, vector<16xf32>,
    %get3A_385 = vector.shape_cast %get3A_384 : vector<16xf32> to vector<16xf32>
    %get3A_386 = arith.constant 368 : index
    %get3A_387 = tpu.vector_load %arg11[%get3A_386] {strides = array<i32>} : memref<512xf32, #tpu.memory_space<vmem>>, vector<16xf32>,
    %get3A_388 = vector.shape_cast %get3A_387 : vector<16xf32> to vector<16xf32>
    %get3A_389 = arith.constant 368 : index
    %get3A_390 = tpu.vector_load %arg12[%get3A_389] {strides = array<i32>} : memref<512xf32, #tpu.memory_space<vmem>>, vector<16xf32>,
    %get3A_391 = vector.shape_cast %get3A_390 : vector<16xf32> to vector<16xf32>
    %sub3A_392 = arith.subf %get3A_388, %get3A_391 : vector<16xf32>
    %mul3A_393 = arith.mulf %get3A_385, %sub3A_392 : vector<16xf32>
    %swap3A_394 = arith.constant 368 : index
    %swap3A_395 = tpu.vector_load %arg14[%swap3A_394] {strides = array<i32>} : memref<512xf32, #tpu.memory_space<vmem>>, vector<16xf32>,
    %swap3A_396 = vector.shape_cast %swap3A_395 : vector<16xf32> to vector<16xf32>
    %swap3A_397 = vector.shape_cast %mul3A_393 : vector<16xf32> to vector<16xf32>
    tpu.vector_store %arg14[%swap3A_394], %swap3A_397 {strides = array<i32>} : memref<512xf32, #tpu.memory_space<vmem>>, vector<16xf32>,
    %get3A_398 = arith.constant 384 : index
    %get3A_399 = tpu.vector_load %arg13[%get3A_398] {strides = array<i32>} : memref<512xf32, #tpu.memory_space<vmem>>, vector<16xf32>,
    %get3A_400 = vector.shape_cast %get3A_399 : vector<16xf32> to vector<16xf32>
    %get3A_401 = arith.constant 384 : index
    %get3A_402 = tpu.vector_load %arg11[%get3A_401] {strides = array<i32>} : memref<512xf32, #tpu.memory_space<vmem>>, vector<16xf32>,
    %get3A_403 = vector.shape_cast %get3A_402 : vector<16xf32> to vector<16xf32>
    %get3A_404 = arith.constant 384 : index
    %get3A_405 = tpu.vector_load %arg12[%get3A_404] {strides = array<i32>} : memref<512xf32, #tpu.memory_space<vmem>>, vector<16xf32>,
    %get3A_406 = vector.shape_cast %get3A_405 : vector<16xf32> to vector<16xf32>
    %sub3A_407 = arith.subf %get3A_403, %get3A_406 : vector<16xf32>
    %mul3A_408 = arith.mulf %get3A_400, %sub3A_407 : vector<16xf32>
    %swap3A_409 = arith.constant 384 : index
    %swap3A_410 = tpu.vector_load %arg14[%swap3A_409] {strides = array<i32>} : memref<512xf32, #tpu.memory_space<vmem>>, vector<16xf32>,
    %swap3A_411 = vector.shape_cast %swap3A_410 : vector<16xf32> to vector<16xf32>
    %swap3A_412 = vector.shape_cast %mul3A_408 : vector<16xf32> to vector<16xf32>
    tpu.vector_store %arg14[%swap3A_409], %swap3A_412 {strides = array<i32>} : memref<512xf32, #tpu.memory_space<vmem>>, vector<16xf32>,
    %get3A_413 = arith.constant 400 : index
    %get3A_414 = tpu.vector_load %arg13[%get3A_413] {strides = array<i32>} : memref<512xf32, #tpu.memory_space<vmem>>, vector<16xf32>,
    %get3A_415 = vector.shape_cast %get3A_414 : vector<16xf32> to vector<16xf32>
    %get3A_416 = arith.constant 400 : index
    %get3A_417 = tpu.vector_load %arg11[%get3A_416] {strides = array<i32>} : memref<512xf32, #tpu.memory_space<vmem>>, vector<16xf32>,
    %get3A_418 = vector.shape_cast %get3A_417 : vector<16xf32> to vector<16xf32>
    %get3A_419 = arith.constant 400 : index
    %get3A_420 = tpu.vector_load %arg12[%get3A_419] {strides = array<i32>} : memref<512xf32, #tpu.memory_space<vmem>>, vector<16xf32>,
    %get3A_421 = vector.shape_cast %get3A_420 : vector<16xf32> to vector<16xf32>
    %sub3A_422 = arith.subf %get3A_418, %get3A_421 : vector<16xf32>
    %mul3A_423 = arith.mulf %get3A_415, %sub3A_422 : vector<16xf32>
    %swap3A_424 = arith.constant 400 : index
    %swap3A_425 = tpu.vector_load %arg14[%swap3A_424] {strides = array<i32>} : memref<512xf32, #tpu.memory_space<vmem>>, vector<16xf32>,
    %swap3A_426 = vector.shape_cast %swap3A_425 : vector<16xf32> to vector<16xf32>
    %swap3A_427 = vector.shape_cast %mul3A_423 : vector<16xf32> to vector<16xf32>
    tpu.vector_store %arg14[%swap3A_424], %swap3A_427 {strides = array<i32>} : memref<512xf32, #tpu.memory_space<vmem>>, vector<16xf32>,
    %get3A_428 = arith.constant 416 : index
    %get3A_429 = tpu.vector_load %arg13[%get3A_428] {strides = array<i32>} : memref<512xf32, #tpu.memory_space<vmem>>, vector<16xf32>,
    %get3A_430 = vector.shape_cast %get3A_429 : vector<16xf32> to vector<16xf32>
    %get3A_431 = arith.constant 416 : index
    %get3A_432 = tpu.vector_load %arg11[%get3A_431] {strides = array<i32>} : memref<512xf32, #tpu.memory_space<vmem>>, vector<16xf32>,
    %get3A_433 = vector.shape_cast %get3A_432 : vector<16xf32> to vector<16xf32>
    %get3A_434 = arith.constant 416 : index
    %get3A_435 = tpu.vector_load %arg12[%get3A_434] {strides = array<i32>} : memref<512xf32, #tpu.memory_space<vmem>>, vector<16xf32>,
    %get3A_436 = vector.shape_cast %get3A_435 : vector<16xf32> to vector<16xf32>
    %sub3A_437 = arith.subf %get3A_433, %get3A_436 : vector<16xf32>
    %mul3A_438 = arith.mulf %get3A_430, %sub3A_437 : vector<16xf32>
    %swap3A_439 = arith.constant 416 : index
    %swap3A_440 = tpu.vector_load %arg14[%swap3A_439] {strides = array<i32>} : memref<512xf32, #tpu.memory_space<vmem>>, vector<16xf32>,
    %swap3A_441 = vector.shape_cast %swap3A_440 : vector<16xf32> to vector<16xf32>
    %swap3A_442 = vector.shape_cast %mul3A_438 : vector<16xf32> to vector<16xf32>
    tpu.vector_store %arg14[%swap3A_439], %swap3A_442 {strides = array<i32>} : memref<512xf32, #tpu.memory_space<vmem>>, vector<16xf32>,
    %get3A_443 = arith.constant 432 : index
    %get3A_444 = tpu.vector_load %arg13[%get3A_443] {strides = array<i32>} : memref<512xf32, #tpu.memory_space<vmem>>, vector<16xf32>,
    %get3A_445 = vector.shape_cast %get3A_444 : vector<16xf32> to vector<16xf32>
    %get3A_446 = arith.constant 432 : index
    %get3A_447 = tpu.vector_load %arg11[%get3A_446] {strides = array<i32>} : memref<512xf32, #tpu.memory_space<vmem>>, vector<16xf32>,
    %get3A_448 = vector.shape_cast %get3A_447 : vector<16xf32> to vector<16xf32>
    %get3A_449 = arith.constant 432 : index
    %get3A_450 = tpu.vector_load %arg12[%get3A_449] {strides = array<i32>} : memref<512xf32, #tpu.memory_space<vmem>>, vector<16xf32>,
    %get3A_451 = vector.shape_cast %get3A_450 : vector<16xf32> to vector<16xf32>
    %sub3A_452 = arith.subf %get3A_448, %get3A_451 : vector<16xf32>
    %mul3A_453 = arith.mulf %get3A_445, %sub3A_452 : vector<16xf32>
    %swap3A_454 = arith.constant 432 : index
    %swap3A_455 = tpu.vector_load %arg14[%swap3A_454] {strides = array<i32>} : memref<512xf32, #tpu.memory_space<vmem>>, vector<16xf32>,
    %swap3A_456 = vector.shape_cast %swap3A_455 : vector<16xf32> to vector<16xf32>
    %swap3A_457 = vector.shape_cast %mul3A_453 : vector<16xf32> to vector<16xf32>
    tpu.vector_store %arg14[%swap3A_454], %swap3A_457 {strides = array<i32>} : memref<512xf32, #tpu.memory_space<vmem>>, vector<16xf32>,
    %get3A_458 = arith.constant 448 : index
    %get3A_459 = tpu.vector_load %arg13[%get3A_458] {strides = array<i32>} : memref<512xf32, #tpu.memory_space<vmem>>, vector<16xf32>,
    %get3A_460 = vector.shape_cast %get3A_459 : vector<16xf32> to vector<16xf32>
    %get3A_461 = arith.constant 448 : index
    %get3A_462 = tpu.vector_load %arg11[%get3A_461] {strides = array<i32>} : memref<512xf32, #tpu.memory_space<vmem>>, vector<16xf32>,
    %get3A_463 = vector.shape_cast %get3A_462 : vector<16xf32> to vector<16xf32>
    %get3A_464 = arith.constant 448 : index
    %get3A_465 = tpu.vector_load %arg12[%get3A_464] {strides = array<i32>} : memref<512xf32, #tpu.memory_space<vmem>>, vector<16xf32>,
    %get3A_466 = vector.shape_cast %get3A_465 : vector<16xf32> to vector<16xf32>
    %sub3A_467 = arith.subf %get3A_463, %get3A_466 : vector<16xf32>
    %mul3A_468 = arith.mulf %get3A_460, %sub3A_467 : vector<16xf32>
    %swap3A_469 = arith.constant 448 : index
    %swap3A_470 = tpu.vector_load %arg14[%swap3A_469] {strides = array<i32>} : memref<512xf32, #tpu.memory_space<vmem>>, vector<16xf32>,
    %swap3A_471 = vector.shape_cast %swap3A_470 : vector<16xf32> to vector<16xf32>
    %swap3A_472 = vector.shape_cast %mul3A_468 : vector<16xf32> to vector<16xf32>
    tpu.vector_store %arg14[%swap3A_469], %swap3A_472 {strides = array<i32>} : memref<512xf32, #tpu.memory_space<vmem>>, vector<16xf32>,
    %get3A_473 = arith.constant 464 : index
    %get3A_474 = tpu.vector_load %arg13[%get3A_473] {strides = array<i32>} : memref<512xf32, #tpu.memory_space<vmem>>, vector<16xf32>,
    %get3A_475 = vector.shape_cast %get3A_474 : vector<16xf32> to vector<16xf32>
    %get3A_476 = arith.constant 464 : index
    %get3A_477 = tpu.vector_load %arg11[%get3A_476] {strides = array<i32>} : memref<512xf32, #tpu.memory_space<vmem>>, vector<16xf32>,
    %get3A_478 = vector.shape_cast %get3A_477 : vector<16xf32> to vector<16xf32>
    %get3A_479 = arith.constant 464 : index
    %get3A_480 = tpu.vector_load %arg12[%get3A_479] {strides = array<i32>} : memref<512xf32, #tpu.memory_space<vmem>>, vector<16xf32>,
    %get3A_481 = vector.shape_cast %get3A_480 : vector<16xf32> to vector<16xf32>
    %sub3A_482 = arith.subf %get3A_478, %get3A_481 : vector<16xf32>
    %mul3A_483 = arith.mulf %get3A_475, %sub3A_482 : vector<16xf32>
    %swap3A_484 = arith.constant 464 : index
    %swap3A_485 = tpu.vector_load %arg14[%swap3A_484] {strides = array<i32>} : memref<512xf32, #tpu.memory_space<vmem>>, vector<16xf32>,
    %swap3A_486 = vector.shape_cast %swap3A_485 : vector<16xf32> to vector<16xf32>
    %swap3A_487 = vector.shape_cast %mul3A_483 : vector<16xf32> to vector<16xf32>
    tpu.vector_store %arg14[%swap3A_484], %swap3A_487 {strides = array<i32>} : memref<512xf32, #tpu.memory_space<vmem>>, vector<16xf32>,
    %get3A_488 = arith.constant 480 : index
    %get3A_489 = tpu.vector_load %arg13[%get3A_488] {strides = array<i32>} : memref<512xf32, #tpu.memory_space<vmem>>, vector<16xf32>,
    %get3A_490 = vector.shape_cast %get3A_489 : vector<16xf32> to vector<16xf32>
    %get3A_491 = arith.constant 480 : index
    %get3A_492 = tpu.vector_load %arg11[%get3A_491] {strides = array<i32>} : memref<512xf32, #tpu.memory_space<vmem>>, vector<16xf32>,
    %get3A_493 = vector.shape_cast %get3A_492 : vector<16xf32> to vector<16xf32>
    %get3A_494 = arith.constant 480 : index
    %get3A_495 = tpu.vector_load %arg12[%get3A_494] {strides = array<i32>} : memref<512xf32, #tpu.memory_space<vmem>>, vector<16xf32>,
    %get3A_496 = vector.shape_cast %get3A_495 : vector<16xf32> to vector<16xf32>
    %sub3A_497 = arith.subf %get3A_493, %get3A_496 : vector<16xf32>
    %mul3A_498 = arith.mulf %get3A_490, %sub3A_497 : vector<16xf32>
    %swap3A_499 = arith.constant 480 : index
    %swap3A_500 = tpu.vector_load %arg14[%swap3A_499] {strides = array<i32>} : memref<512xf32, #tpu.memory_space<vmem>>, vector<16xf32>,
    %swap3A_501 = vector.shape_cast %swap3A_500 : vector<16xf32> to vector<16xf32>
    %swap3A_502 = vector.shape_cast %mul3A_498 : vector<16xf32> to vector<16xf32>
    tpu.vector_store %arg14[%swap3A_499], %swap3A_502 {strides = array<i32>} : memref<512xf32, #tpu.memory_space<vmem>>, vector<16xf32>,
    %get3A_503 = arith.constant 496 : index
    %get3A_504 = tpu.vector_load %arg13[%get3A_503] {strides = array<i32>} : memref<512xf32, #tpu.memory_space<vmem>>, vector<16xf32>,
    %get3A_505 = vector.shape_cast %get3A_504 : vector<16xf32> to vector<16xf32>
    %get3A_506 = arith.constant 496 : index
    %get3A_507 = tpu.vector_load %arg11[%get3A_506] {strides = array<i32>} : memref<512xf32, #tpu.memory_space<vmem>>, vector<16xf32>,
    %get3A_508 = vector.shape_cast %get3A_507 : vector<16xf32> to vector<16xf32>
    %get3A_509 = arith.constant 496 : index
    %get3A_510 = tpu.vector_load %arg12[%get3A_509] {strides = array<i32>} : memref<512xf32, #tpu.memory_space<vmem>>, vector<16xf32>,
    %get3A_511 = vector.shape_cast %get3A_510 : vector<16xf32> to vector<16xf32>
    %sub3A_512 = arith.subf %get3A_508, %get3A_511 : vector<16xf32>
    %mul3A_513 = arith.mulf %get3A_505, %sub3A_512 : vector<16xf32>
    %swap3A_514 = arith.constant 496 : index
    %swap3A_515 = tpu.vector_load %arg14[%swap3A_514] {strides = array<i32>} : memref<512xf32, #tpu.memory_space<vmem>>, vector<16xf32>,
    %swap3A_516 = vector.shape_cast %swap3A_515 : vector<16xf32> to vector<16xf32>
    %swap3A_517 = vector.shape_cast %mul3A_513 : vector<16xf32> to vector<16xf32>
    tpu.vector_store %arg14[%swap3A_514], %swap3A_517 {strides = array<i32>} : memref<512xf32, #tpu.memory_space<vmem>>, vector<16xf32>,
    "tpu.region"() ({
      %run_scoped3A = tpu.sem_alloc : memref<!tpu.dma_semaphore, #tpu.memory_space<semaphore_mem>>
      %dma_start3A_518 = tpu.memref_slice %arg7[%mul3A_2] : memref<16384xf32, #tpu.memory_space<hbm>> -> memref<512xf32, #tpu.memory_space<hbm>>
      %dma_start3A_519 = tpu.memref_slice %arg7[%mul3A_2] : memref<16384xf32, #tpu.memory_space<hbm>> -> memref<512xf32, #tpu.memory_space<hbm>>
      tpu.enqueue_dma source(%arg14 : memref<512xf32, #tpu.memory_space<vmem>>) target(%dma_start3A_519 : memref<512xf32, #tpu.memory_space<hbm>>) target_semaphore(%run_scoped3A : memref<!tpu.dma_semaphore, #tpu.memory_space<semaphore_mem>>)
      %dma_wait3A_520 = tpu.memref_slice %arg7[%mul3A_2] : memref<16384xf32, #tpu.memory_space<hbm>> -> memref<512xf32, #tpu.memory_space<hbm>>
      %dma_wait3A_521 = tpu.memref_slice %arg7[%mul3A_2] : memref<16384xf32, #tpu.memory_space<hbm>> -> memref<512xf32, #tpu.memory_space<hbm>>
      tpu.wait_dma2 semaphore(%run_scoped3A : memref<!tpu.dma_semaphore, #tpu.memory_space<semaphore_mem>>) src(%arg14 : memref<512xf32, #tpu.memory_space<vmem>>) dst(%dma_wait3A_521 : memref<512xf32, #tpu.memory_space<hbm>>)
      tpu.yield
    }) : () -> ()
    return
  }
}

</mosaic_0001>

<sc_bundles>
// kernel: kernel.3.cloned.1.call-start
scs
__scs_entry_jumppad:
0x0: {  	(pc) =	sbr.rel $0x88, $3  }
0x1: {  	(tag) =	ssettag $0x0;
	lr =	simm.s32 $0x1  }
0x2: {  	[smem:$0x3F9C] =	sst lr;
	_ =	strace $0xD0000000  }
0x3: {  	_ = 	snop  }
0x4: {  	_ = 	snop  }
0x5: {  	_ = 	snop  }
0x6: {  	_ = 	snop  }
0x7: {  	_ = 	snop  }
__scs_overlays_trampoline_lowered:
0x8: {  	[smem:$0x3FAB] =	sst s0  }
0x9: {  	[smem:$0x3FAC] =	sst s1  }
0xa: {  	[smem:$0x3FAD] =	sst s2  }
0xb: {  	[smem:$0x3FAE] =	sst s3  }
0xc: {  	[smem:$0x3FAF] =	sst s4  }
0xd: {  	[smem:$0x3FB0] =	sst s5  }
0xe: {  	[smem:$0x3FB1] =	sst s6  }
0xf: {  	[smem:$0x3FB2] =	sst s7  }
0x10: {  	[smem:$0x3FB3] =	sst s8  }
0x11: {  	[smem:$0x3FB4] =	sst s9;
	s0 =	simm.s32 @!p0 $0x0  }
0x12: {  	s1 =	sld [smem:$0x3F9A];
	s0 =	simm.s32 @p0 $0x1  }
0x13: {  	[smem:$0x3FB5] =	sst s0;
	s0 =	simm.s32 @!p1 $0x0  }
0x14: {  	s2 =	sld [smem:$0x3F99];
	s0 =	simm.s32 @p1 $0x1  }
0x15: {  	[smem:$0x3FB6] =	sst s0;
	s0 =	simm.s32 @!p2 $0x0  }
0x16: {  	s3 =	sld [smem:$0x3FDB];
	s0 =	simm.s32 @p2 $0x1  }
0x17: {  	s4 =	simm.s32 $0x1BF5;
	[smem:$0x3FB8] =	sst s0  }
0x18: {  	s0 =	sld [smem:$0x3F9B];
	_ =	swait.ge [sflag:s4], $0x0  }
0x19: {  	s7 =	sld [smem:$0x3F9C]  }
0x1a: {  	s8 =	sadd.s32 $0xFFFFE003, lr  }
0x1b: {  	s9 =	sadd.s32 $0xFFFFFEF7, lr;
	s5 =	simm.s32 $0xFFFFFFFF;
	p2 =	slt.u32 s8, $0xFFFFF086  }
0x1c: {  	p1 =	slt.u32 s9, $0xF7A;
	s5 =	simm.s32 @!p2 $0x0  }
0x1d: {  	s5 =	simm.s32 @p1 $0x1;
	p0 =	seq.s32 s7, s2  }
0x1e: {  	s7 =	smul.u32 @!p0 $0xF7A, s2;
	p2 =	seq.s32 @!p0 s5, $0x0  }
0x1f: {  	s9 =	smul.u32 $0xF7A, s1;
	s8 =	simm.s32 @!p0 $0x1BF5;
	p2 =	por !p2, p0  }
0x20: {  	[sflag:s8] =	ssyncset.s32 @!p0 $0xFFFFF086;
	s6 =	sadd.s32 @!p0 s3, s7;
	s7 =	simm.s32 @!p0 $0x108  }
0x21: {  	s3 =	sadd.s32 s3, s9;
	s6 =	sadd.s32 @!p0 $0x88, s6;
	s7 =	simm.s32 @p2 $0x1082  }
0x22: {  	[simem:s7], [sflag:s8] =	dma.local @!p0 [hbm:s6], $0xF7A  }
0x23: {  	s9 =	sor.u32 $0xD0000000, s2;
	s6 =	simm.s32 $0x108;
	_ =	swait.ge @!p0 [sflag:s8], $0x0  }
0x24: {  	s3 =	sadd.s32 $0x88, s3;
	s6 =	simm.s32 @!p1 $0x1082;
	[sflag:s4] =	ssyncset.s32 $0xFFFFF086  }
0x25: {  	[simem:s6], [sflag:s4] =	dma.local [hbm:s3], $0xF7A  }
0x26: {  	[smem:$0x3F9C] =	sst s1;
	(tag) =	ssettag s2;
	_ =	strace s9  }
0x27: {  	s1 =	sld [smem:$0x3FAC]  }
0x28: {  	s2 =	sld [smem:$0x3FAD]  }
0x29: {  	s4 =	sld [smem:$0x3FAF]  }
0x2a: {  	p0 =	seq.s32 s5, $0x0;
	s5 =	sld [smem:$0x3FB0]  }
0x2b: {  	s6 =	sld [smem:$0x3FB1]  }
0x2c: {  	s7 =	sld [smem:$0x3FB2]  }
0x2d: {  	s3 =	simm.s32 $0x108;
	s8 =	sld [smem:$0x3FB3]  }
0x2e: {  	s3 =	simm.s32 @!p0 $0x1082;
	s9 =	sld [smem:$0x3FB4]  }
0x2f: {  	lr =	sadd.s32 s0, s3;
	s0 =	sld [smem:$0x3FAB]  }
0x30: {  	s3 =	sld [smem:$0x3FAE]  }
0x31: {  	[smem:$0x3FB7] =	sst s10  }
0x32: {  	s10 =	sld [smem:$0x3FB5];
	_ =	sdelay $0x3  }
0x33: {  	p0 =	seq.s32 s10, $0x1;
	s10 =	sld [smem:$0x3FB7];
	_ =	sdelay $0x3  }
0x34: {  	[smem:$0x3FB7] =	sst s10  }
0x35: {  	s10 =	sld [smem:$0x3FB6];
	_ =	sdelay $0x3  }
0x36: {  	p1 =	seq.s32 s10, $0x1;
	s10 =	sld [smem:$0x3FB7];
	_ =	sdelay $0x3  }
0x37: {  	[smem:$0x3FB7] =	sst s10  }
0x38: {  	s10 =	sld [smem:$0x3FB8]  }
0x39: {  	_ = 	snop;
	(pc) =	sbr.ind lr, $3  }
0x3a: {  	_ = 	snop  }
0x3b: {  	_ = 	snop  }
0x3c: {  	p2 =	seq.s32 s10, $0x1;
	s10 =	sld [smem:$0x3FB7]  }
0x3d: {  	_ =	shalt  }
0x3e: {  	_ =	shalt  }
0x3f: {  	_ =	shalt  }
0x40: {  	_ =	shalt  }
0x41: {  	_ =	shalt  }
0x42: {  	_ =	shalt  }
0x43: {  	_ =	shalt  }
0x44: {  	_ =	shalt  }
0x45: {  	_ =	shalt  }
0x46: {  	_ =	shalt  }
0x47: {  	_ =	shalt  }
0x48: {  	_ =	shalt  }
0x49: {  	_ =	shalt  }
0x4a: {  	_ =	shalt  }
0x4b: {  	_ =	shalt  }
0x4c: {  	_ =	shalt  }
0x4d: {  	_ =	shalt  }
0x4e: {  	_ =	shalt  }
0x4f: {  	_ =	shalt  }
0x50: {  	_ =	shalt  }
0x51: {  	_ =	shalt  }
0x52: {  	_ =	shalt  }
0x53: {  	_ =	shalt  }
0x54: {  	_ =	shalt  }
0x55: {  	_ =	shalt  }
0x56: {  	_ =	shalt  }
0x57: {  	_ =	shalt  }
0x58: {  	_ =	shalt  }
0x59: {  	_ =	shalt  }
0x5a: {  	_ =	shalt  }
0x5b: {  	_ =	shalt  }
0x5c: {  	_ =	shalt  }
0x5d: {  	_ =	shalt  }
0x5e: {  	_ =	shalt  }
0x5f: {  	_ =	shalt  }
0x60: {  	_ =	shalt  }
0x61: {  	_ =	shalt  }
0x62: {  	_ =	shalt  }
0x63: {  	_ =	shalt  }
0x64: {  	_ =	shalt  }
0x65: {  	_ =	shalt  }
0x66: {  	_ =	shalt  }
0x67: {  	_ =	shalt  }
0x68: {  	_ =	shalt  }
0x69: {  	_ =	shalt  }
0x6a: {  	_ =	shalt  }
0x6b: {  	_ =	shalt  }
0x6c: {  	_ =	shalt  }
0x6d: {  	_ =	shalt  }
0x6e: {  	_ =	shalt  }
0x6f: {  	_ =	shalt  }
0x70: {  	_ =	shalt  }
0x71: {  	_ =	shalt  }
0x72: {  	_ =	shalt  }
0x73: {  	_ =	shalt  }
0x74: {  	_ =	shalt  }
0x75: {  	_ =	shalt  }
0x76: {  	_ =	shalt  }
0x77: {  	_ =	shalt  }
0x78: {  	_ =	shalt  }
0x79: {  	_ =	shalt  }
0x7a: {  	_ =	shalt  }
0x7b: {  	_ =	shalt  }
0x7c: {  	_ =	shalt  }
0x7d: {  	_ =	shalt  }
0x7e: {  	_ =	shalt  }
0x7f: {  	_ =	shalt  }
0x80: {  	_ =	shalt  }
0x81: {  	_ =	shalt  }
0x82: {  	_ =	shalt  }
0x83: {  	_ =	shalt  }
0x84: {  	_ =	shalt  }
0x85: {  	_ =	shalt  }
0x86: {  	_ =	shalt  }
0x87: {  	_ =	shalt  }
.Lfunc_end0:
.L_simem_size_0:
called_computation_lowered:
.L_overlay_start_0:
0x88: {  	s2 =	sld [smem:$0x3FD9]  }
0x89: {  	s3 =	sld [smem:$0x3FFE];
	_ =	sdelay $0x1  }
0x8a: {  	s1 =	srdreg.scid  }
0x8b: {  	s0 =	sand.u32 $0x1, s1  }
0x8c: {  	s18 =	sshll.u32 s0, $0xA;
	s2 =	sadd.s32 s3, s2  }
0x8d: {  	s2 =	sadd.s32 s2, s18  }
0x8e: {  	[smem:$0x3FC3] =	sst s2  }
0x8f: {  	_ = 	snop  }
0x90: {  	s2 =	sld [smem:$0x3FC9]  }
0x91: {  	s19 =	sld [smem:$0x3FC8]  }
0x92: {  	s4 =	sld [smem:$0x3FC7]  }
0x93: {  	s5 =	sld [smem:$0x3FC6]  }
0x94: {  	s6 =	sld [smem:$0x3FC5]  }
0x95: {  	s7 =	sld [smem:$0x3FD0];
	(tm) =	ssettm $0x1  }
0x96: {  	s8 =	sld [smem:$0x3FFB];
	_ =	sdelay $0x3  }
0x97: {  	_ =	strace s8  }
0x98: {  	s8 =	sld [smem:$0x3FFC];
	_ =	sdelay $0x3  }
0x99: {  	_ =	strace s8  }
0x9a: {  	s8 =	sld [smem:$0x3FFD];
	_ =	sdelay $0x3  }
0x9b: {  	_ =	strace s8  }
0x9c: {  	_ =	strace $0x8FFFFFFF  }
0x9d: {  	s20 =	sld [smem:$0x3FDB];
	_ =	sdelay $0x1  }
0x9e: {  	s9 =	simm.s32 $_scs_section_size  }
0x9f: {  	s10 =	simm.s32 $_size__tile_overlayer_lowered;
	s11 =	simm.s32 $_tile_overlayer_lowered  }
0xa0: {  	s23 =	simm.s32 $0x1BFF;
	s22 =	sshll.u32 s11, $0x1;
	s8 =	sadd.s32 s9, s20  }
0xa1: {  	s12 =	simm.s32 $0x0;
	s21 =	sshll.u32 s10, $0x1;
	s10 =	sadd.s32 s22, s8  }
0xa2: {  	[timem:s12], [sflag:s23] =	dma.local [hbm:s10], s21  }
0xa3: {  	_ =	swait.ge [sflag:s23], s21  }
0xa4: {  	s9 =	ssub.s32 $0x0, s21;
	[sflag:s23] =	ssyncset.done $0x0  }
0xa5: {  	[sflag:s23] =	ssyncadd.s32 s9;
	_ =	sdelay $0x1  }
0xa6: {  	s24 =	simm.s32 $0x1B8B  }
0xa7: {  	_ =	swait.ge [sflag:s24], $0x1  }
0xa8: {  	[sflag:s24] =	ssyncset.done $0x0  }
0xa9: {  	s25 =	simm.s32 $0x1B8E;
	[sflag:s24] =	ssyncadd.s32 $0xFFFFFFFF  }
0xaa: {  	s26 =	simm.s32 $execute0_lowered;
	[smem:$0x3FD2] =	sst s25  }
0xab: {  	s9 =	sshll.u32 s26, $0x1;
	_ =	strace $0x80000046;
	[dreg:$0x1] =	wrdreg $0xFFFFFFFF  }
0xac: {  	s28 =	simm.s32 $_size_execute0_lowered;
	s8 =	sadd.s32 s8, s9;
	[dreg:$0x0] =	wrdreg $0x0  }
0xad: {  	s9 =	sshll.u32 s28, $0x1;
	[dreg:$0x2] =	wrdreg s8  }
0xae: {  	[dreg:$0x3] =	wrdreg s9  }
0xaf: {  	[dreg:$0x4] =	wrdreg $0xC0  }
0xb0: {  	_ =	task [dreg:s12], $0x5FFFF  }
0xb1: {  	[dreg:$0x1] =	wrdreg $0xFFFFFFFF  }
0xb2: {  	[dreg:$0x0] =	wrdreg $0x60  }
0xb3: {  	[dreg:$0x2] =	wrdreg s2  }
0xb4: {  	[dreg:$0x3] =	wrdreg s19  }
0xb5: {  	[dreg:$0x4] =	wrdreg s4  }
0xb6: {  	[dreg:$0x5] =	wrdreg s5  }
0xb7: {  	[dreg:$0x6] =	wrdreg s6  }
0xb8: {  	[dreg:$0x7] =	wrdreg s7  }
0xb9: {  	[dreg:$0x8] =	wrdreg $0x9  }
0xba: {  	_ =	task.clear_ibuf [dreg:s12], $0x9FFFF;
	_ =	strace $0x90000046  }
0xbb: {  	s29 =	simm.s32 $0x9;
	_ =	strace $0x80000048  }
0xbc: {  	_ =	swait.ge [sflag:s29], $0x1  }
0xbd: {  	[sflag:s29] =	ssyncadd.s32 $0xFFFFFFFF  }
0xbe: {  	_ =	strace $0x90000048  }
0xbf: {  	_ =	sfence  }
0xc0: {  	s30 =	sld [smem:$0x0];
	_ =	sdelay $0x2  }
0xc1: {  	s31 =	sshll.u32 s1, $0xD;
	s1 =	sshrl.u32 s1, $0x2  }
0xc2: {  	s3 =	sand.u32 $0x4000, s31;
	s1 =	sadd.s32 s1, s30  }
0xc3: {  	s0 =	sor.u32 s3, s0;
	s1 =	sshll.u32 s1, $0x11  }
0xc4: {  	s0 =	sor.u32 s1, s0  }
0xc5: {  	s0 =	sadd.s32 $0x8F2B, s0  }
0xc6: {  	[sflag:s0] =	ssyncadd.remote.s32 $0x1  }
0xc7: {  	_ =	sfence.sel $0xFFFF  }
0xc8: {  	[dreg:$0x0] =	wrdreg $0xFFFFFFFF;
	(pc) =	sbr.abs _section_cstart, $3  }
0xc9: {  	[dreg:$0x1] =	wrdreg $0xFFFFFFFF  }
0xca: {  	_ =	task.clear_ibuf [dreg:s12], $0x2FFFF;
	_ =	strace $0x9FFFFFFF  }
0xcb: {  	(tm) =	ssettm $0x7FFFFFFF  }
tec
execute0_lowered:
.L_overlay_start_1:
0x0: {  	(tag) =	ssettag $0x1  }
0x1: {  	s5 =	rddreg [dreg:$0x0]  }
0x2: {  	s6 =	rddreg [dreg:$0x1]  }
0x3: {  	s7 =	rddreg [dreg:$0x2]  }
0x4: {  	s1 =	rddreg [dreg:$0x3]  }
0x5: {  	s2 =	rddreg [dreg:$0x4]  }
0x6: {  	s8 =	rddreg [dreg:$0x5]  }
0x7: {  	s0 =	rddreg [dreg:$0x6];
	s9 =	srdreg.scid  }
0x8: {  	s4 =	simm.s32 $0x0;
	s3 =	stileid.u32;
	s13 =	simm.s32 $0x600  }
0x9: {  	s14 =	simm.s32 $0x800;
	s15 =	simm.s32 $0xA00;
	s16 =	simm.s32 $0xC00  }
0xa: {  	s17 =	simm.s32 $0x2;
	s9 =	sand.u32 $0x1, s9;
	s11 =	sshll.u32 s3, $0x7  }
0xb: {  	[smem:$0x7FF] =	sst s4;
	s10 =	ssub.s32 $0x2, s9;
	s9 =	sshll.u32 s9, $0x6  }
0xc: {  	_ =	strace $0x80000047;
	s12 =	sshrl.u32 s10, $0x1;
	s9 =	sor.u32 s9, s11  }
0xd: {  	s11 =	simm.s32 $0x400;
	s10 =	ssub.s32 s10, s12;
	s5 =	sadd.s32 s5, s9  }
0xe: {  	s6 =	sadd.s32 s6, s9;
	s7 =	sadd.s32 s7, s9;
	s8 =	sadd.s32 s8, s9  }
0xf: {  	s12 =	simm.s32 $0x1;
	s9 =	smax.u32 s10, $0x1;
	s10 =	simm.s32 $0x200  }
.LBB2_1:
0x10: {  	[tilespmem:s4], [sflag:$0x1] =	stream.linear.gather [hbm4b:s5+s4], $0x200, $0x38;
	[tilespmem:$0xE00] =	vst v63  }
0x11: {  	_ = 	snop  }
0x12: {  	[tilespmem:s10], [sflag:$0x1] =	stream.linear.gather [hbm4b:s6+s4], $0x200, $0x38;
	[tilespmem:$0xE00] =	vst v63  }
0x13: {  	_ = 	snop  }
0x14: {  	[tilespmem:s11], [sflag:$0x1] =	stream.linear.gather [hbm4b:s7+s4], $0x200, $0x38;
	[tilespmem:$0xE00] =	vst v63  }
0x15: {  	_ =	swait.ge [sflag:s12], $0x200  }
0x16: {  	[sflag:s12] =	ssyncset.done $0x0  }
0x17: {  	[sflag:s12] =	ssyncadd.s32 $0xFFFFFE00  }
0x18: {  	_ =	swait.ge [sflag:s12], $0x200  }
0x19: {  	[sflag:s12] =	ssyncset.done $0x0  }
0x1a: {  	[sflag:s12] =	ssyncadd.s32 $0xFFFFFE00  }
0x1b: {  	_ =	swait.ge [sflag:s12], $0x200  }
0x1c: {  	[sflag:s12] =	ssyncset.done $0x0  }
0x1d: {  	[sflag:s12] =	ssyncadd.s32 $0xFFFFFE00  }
0x1e: {  	[tilespmem:s13], [sflag:$0x1] =	stream.indirect.gather [hbm4b:s1+s10], $0x1, s4, s10, $0xb8;
	[tilespmem:$0xE00] =	vst v63  }
0x1f: {  	_ = 	snop  }
0x20: {  	[tilespmem:s14], [sflag:$0x1] =	stream.indirect.gather [hbm4b:s1+s10], $0x1, s10, s10, $0xb8;
	[tilespmem:$0xE00] =	vst v63  }
0x21: {  	_ = 	snop  }
0x22: {  	[tilespmem:s15], [sflag:$0x1] =	stream.indirect.gather [hbm4b:s2+s10], $0x1, s11, s10, $0xb8;
	[tilespmem:$0xE00] =	vst v63  }
0x23: {  	_ =	swait.ge [sflag:s12], $0x200  }
0x24: {  	[sflag:s12] =	ssyncset.done $0x0  }
0x25: {  	[sflag:s12] =	ssyncadd.s32 $0xFFFFFE00  }
0x26: {  	_ =	swait.ge [sflag:s12], $0x200  }
0x27: {  	[sflag:s12] =	ssyncset.done $0x0  }
0x28: {  	[sflag:s12] =	ssyncadd.s32 $0xFFFFFE00  }
0x29: {  	_ =	swait.ge [sflag:s12], $0x200  }
0x2a: {  	[sflag:s12] =	ssyncset.done $0x0  }
0x2b: {  	[sflag:s12] =	ssyncadd.s32 $0xFFFFFE00  }
0x2c: {  	v0 =	vld [tilespmem:$0xA00]  }
0x2d: {  	v1 =	vld [tilespmem:$0x600]  }
0x2e: {  	v2 =	vld [tilespmem:$0x800]  }
0x2f: {  	v3 =	vld [tilespmem:$0xA10]  }
0x30: {  	v4 =	vld [tilespmem:$0x610]  }
0x31: {  	v5 =	vld [tilespmem:$0x810]  }
0x32: {  	v6 =	vld [tilespmem:$0xA20]  }
0x33: {  	v7 =	vld [tilespmem:$0x620]  }
0x34: {  	v8 =	vld [tilespmem:$0x820]  }
0x35: {  	v9 =	vld [tilespmem:$0xA30]  }
0x36: {  	v10 =	vld [tilespmem:$0x630]  }
0x37: {  	v11 =	vld [tilespmem:$0x830]  }
0x38: {  	v12 =	vld [tilespmem:$0xA40]  }
0x39: {  	v13 =	vld [tilespmem:$0x640]  }
0x3a: {  	v14 =	vld [tilespmem:$0x840]  }
0x3b: {  	v15 =	vld [tilespmem:$0xA50]  }
0x3c: {  	v16 =	vld [tilespmem:$0x650]  }
0x3d: {  	v17 =	vld [tilespmem:$0x850]  }
0x3e: {  	v18 =	vld [tilespmem:$0xA60]  }
0x3f: {  	v19 =	vld [tilespmem:$0x660]  }
0x40: {  	v20 =	vld [tilespmem:$0x860]  }
0x41: {  	v21 =	vld [tilespmem:$0xA70]  }
0x42: {  	v22 =	vld [tilespmem:$0x670]  }
0x43: {  	v23 =	vld [tilespmem:$0x870]  }
0x44: {  	v24 =	vld [tilespmem:$0xA80]  }
0x45: {  	v25 =	vld [tilespmem:$0x680]  }
0x46: {  	v26 =	vld [tilespmem:$0x880]  }
0x47: {  	v27 =	vld [tilespmem:$0xA90]  }
0x48: {  	v28 =	vld [tilespmem:$0x690]  }
0x49: {  	v29 =	vld [tilespmem:$0x890]  }
0x4a: {  	v30 =	vld [tilespmem:$0xAA0]  }
0x4b: {  	v31 =	vld [tilespmem:$0x6A0]  }
0x4c: {  	v32 =	vld [tilespmem:$0x8A0]  }
0x4d: {  	v33 =	vld [tilespmem:$0xAB0]  }
0x4e: {  	v34 =	vld [tilespmem:$0x6B0]  }
0x4f: {  	v35 =	vld [tilespmem:$0x8B0]  }
0x50: {  	v36 =	vld [tilespmem:$0xAC0]  }
0x51: {  	v37 =	vld [tilespmem:$0x6C0]  }
0x52: {  	v38 =	vld [tilespmem:$0x8C0]  }
0x53: {  	v45 =	vld [tilespmem:$0xAD0]  }
0x54: {  	v40 =	vld [tilespmem:$0x6D0]  }
0x55: {  	v41 =	vld [tilespmem:$0x8D0]  }
0x56: {  	v48 =	vld [tilespmem:$0xAE0]  }
0x57: {  	v43 =	vld [tilespmem:$0x6E0]  }
0x58: {  	v44 =	vld [tilespmem:$0x8E0]  }
0x59: {  	v51 =	vld [tilespmem:$0xAF0]  }
0x5a: {  	v46 =	vld [tilespmem:$0x6F0]  }
0x5b: {  	v47 =	vld [tilespmem:$0x8F0]  }
0x5c: {  	v54 =	vld [tilespmem:$0xB00]  }
0x5d: {  	v49 =	vld [tilespmem:$0x700]  }
0x5e: {  	v50 =	vld [tilespmem:$0x900]  }
0x5f: {  	v57 =	vld [tilespmem:$0xB10]  }
0x60: {  	v52 =	vld [tilespmem:$0x710]  }
0x61: {  	v53 =	vld [tilespmem:$0x910]  }
0x62: {  	v60 =	vld [tilespmem:$0xB20]  }
0x63: {  	v55 =	vld [tilespmem:$0x720]  }
0x64: {  	v56 =	vld [tilespmem:$0x920]  }
0x65: {  	v39 =	vld [tilespmem:$0xB30]  }
0x66: {  	v58 =	vld [tilespmem:$0x730]  }
0x67: {  	v42 =	vld [tilespmem:$0xB50]  }
0x68: {  	v59 =	vld [tilespmem:$0x930]  }
0x69: {  	v63 =	vld [tilespmem:$0xB40]  }
0x6a: {  	v61 =	vld [tilespmem:$0x740]  }
0x6b: {  	v62 =	vld [tilespmem:$0x940]  }
0x6c: {  	[tilespmem:$0x1FFE0] =	vst v42;
	v42 =	vld [tilespmem:$0x750]  }
0x6d: {  	[tilespmem:$0x1FFC0] =	vst v39;
	v39 =	vld [tilespmem:$0x950]  }
0x6e: {  	[tilespmem:$0x1FFD0] =	vst v63;
	v63 =	vld [tilespmem:$0xB60]  }
0x6f: {  	v1 =	vsub.f32 v1, v2;
	v2 =	vld [tilespmem:$0x760];
	v4 =	vsub.f32 v4, v5  }
0x70: {  	v5 =	vld [tilespmem:$0x960]  }
0x71: {  	v13 =	vsub.f32 v13, v14;
	v3 =	vmul.f32 v4, v3;
	v4 =	vsub.f32 v10, v11;
	v10 =	vld [tilespmem:$0x780]  }
0x72: {  	v11 =	vld [tilespmem:$0x980]  }
0x73: {  	v16 =	vsub.f32 v16, v17;
	v17 =	vmul.f32 v13, v12;
	v12 =	vld [tilespmem:$0xB90]  }
0x74: {  	v0 =	vmul.f32 v1, v0;
	v13 =	vld [tilespmem:$0x790]  }
0x75: {  	v19 =	vsub.f32 v19, v20;
	v20 =	vmul.f32 v16, v15;
	v15 =	vld [tilespmem:$0xBA0]  }
0x76: {  	v16 =	vld [tilespmem:$0x7A0];
	[tilespmem:$0xC00] =	vst v0  }
0x77: {  	v22 =	vsub.f32 v22, v23;
	v31 =	vsub.f32 v31, v32;
	v23 =	vmul.f32 v19, v18;
	v18 =	vld [tilespmem:$0xBB0];
	[tilespmem:$0xC10] =	vst v3  }
0x78: {  	v25 =	vsub.f32 v25, v26;
	v34 =	vsub.f32 v34, v35;
	v19 =	vld [tilespmem:$0x7B0];
	[tilespmem:$0xC40] =	vst v17  }
0x79: {  	v28 =	vsub.f32 v28, v29;
	v26 =	vmul.f32 v22, v21;
	v35 =	vmul.f32 v31, v30;
	v30 =	vld [tilespmem:$0x9C0];
	[tilespmem:$0xC50] =	vst v20  }
0x7a: {  	v37 =	vsub.f32 v37, v38;
	v29 =	vmul.f32 v25, v24;
	v38 =	vmul.f32 v34, v33;
	v33 =	vld [tilespmem:$0xBD0];
	[tilespmem:$0xC60] =	vst v23  }
0x7b: {  	v32 =	vmul.f32 v28, v27;
	v34 =	vld [tilespmem:$0x1FFC0];
	[tilespmem:$0xC70] =	vst v26  }
0x7c: {  	v40 =	vsub.f32 v40, v41;
	v41 =	vmul.f32 v37, v36;
	v36 =	vld [tilespmem:$0x7D0];
	[tilespmem:$0xC80] =	vst v29  }
0x7d: {  	v37 =	vld [tilespmem:$0x1FFD0];
	[tilespmem:$0xC90] =	vst v32  }
0x7e: {  	v44 =	vsub.f32 v43, v44;
	v45 =	vmul.f32 v40, v45;
	v40 =	vld [tilespmem:$0x1FFE0];
	[tilespmem:$0xCA0] =	vst v35  }
0x7f: {  	v47 =	vsub.f32 v46, v47;
	v14 =	vmul.f32 v4, v9;
	v9 =	vld [tilespmem:$0xB80];
	[tilespmem:$0xCB0] =	vst v38  }
0x80: {  	v50 =	vsub.f32 v49, v50;
	v48 =	vmul.f32 v44, v48;
	v17 =	vld [tilespmem:$0x9A0];
	[tilespmem:$0xCC0] =	vst v41  }
0x81: {  	v51 =	vmul.f32 v47, v51;
	v20 =	vld [tilespmem:$0x9B0];
	[tilespmem:$0xCD0] =	vst v45  }
0x82: {  	v53 =	vsub.f32 v52, v53;
	v54 =	vmul.f32 v50, v54;
	[tilespmem:$0xCE0] =	vst v48;
	v45 =	vld [tilespmem:$0x9E0]  }
0x83: {  	v56 =	vsub.f32 v55, v56;
	[tilespmem:$0xCF0] =	vst v51;
	v48 =	vld [tilespmem:$0x7F0]  }
0x84: {  	v28 =	vmul.f32 v53, v57;
	[tilespmem:$0xD00] =	vst v54;
	v51 =	vld [tilespmem:$0x9F0]  }
0x85: {  	v31 =	vmul.f32 v56, v60;
	v54 =	vld [tilespmem:$0xBE0];
	[tilespmem:$0x1FFF0] =	vst v63;
	v63 =	vsub.f32 v7, v8  }
0x86: {  	v29 =	vsub.f32 v58, v59;
	[tilespmem:$0xD10] =	vst v28;
	v8 =	vld [tilespmem:$0x770]  }
0x87: {  	v32 =	vsub.f32 v61, v62;
	[tilespmem:$0xD20] =	vst v31;
	v43 =	vld [tilespmem:$0x1FFF0];
	v63 =	vmul.f32 v63, v6  }
0x88: {  	v35 =	vsub.f32 v42, v39;
	v39 =	vld [tilespmem:$0x9D0];
	[tilespmem:$0xC30] =	vst v14;
	v3 =	vmul.f32 v29, v34  }
0x89: {  	v42 =	vld [tilespmem:$0x7E0];
	v0 =	vmul.f32 v32, v37;
	v44 =	vsub.f32 v10, v11;
	[tilespmem:$0xC20] =	vst v63  }
0x8a: {  	v38 =	vsub.f32 v2, v5;
	v14 =	vld [tilespmem:$0x990];
	[tilespmem:$0xD30] =	vst v3;
	v3 =	vmul.f32 v35, v40  }
0x8b: {  	v6 =	vld [tilespmem:$0x970];
	[tilespmem:$0xD40] =	vst v0;
	v49 =	vmul.f32 v44, v9;
	v50 =	vsub.f32 v16, v17  }
0x8c: {  	v7 =	vld [tilespmem:$0xB70];
	v53 =	vsub.f32 v19, v20;
	v0 =	vmul.f32 v38, v43;
	[tilespmem:$0xD50] =	vst v3  }
0x8d: {  	v63 =	vld [tilespmem:$0x7C0];
	v2 =	vsub.f32 v36, v39;
	[tilespmem:$0xD80] =	vst v49;
	v55 =	vmul.f32 v50, v15  }
0x8e: {  	v57 =	vld [tilespmem:$0xBF0];
	v60 =	vsub.f32 v42, v45;
	v58 =	vmul.f32 v53, v18;
	[tilespmem:$0xD60] =	vst v0  }
0x8f: {  	v21 =	vld [tilespmem:$0xBC0];
	v47 =	vsub.f32 v13, v14;
	v2 =	vmul.f32 v2, v33;
	[tilespmem:$0xDA0] =	vst v55  }
0x90: {  	v41 =	vsub.f32 v8, v6;
	v62 =	vmul.f32 v60, v54;
	[tilespmem:$0xDB0] =	vst v58  }
0x91: {  	v61 =	vsub.f32 v48, v51;
	v52 =	vmul.f32 v47, v12;
	[tilespmem:$0xDD0] =	vst v2  }
0x92: {  	v46 =	vmul.f32 v41, v7;
	v56 =	vsub.f32 v63, v30;
	[tilespmem:$0xDE0] =	vst v62  }
0x93: {  	v63 =	vmul.f32 v61, v57;
	[tilespmem:$0xD90] =	vst v52  }
0x94: {  	[tilespmem:$0xD70] =	vst v46;
	v59 =	vmul.f32 v56, v21  }
0x95: {  	p0 =	sne.s32 s9, $0x1;
	[tilespmem:$0xDF0] =	vst v63  }
.Ltmp0:
0x96: {  	[tilespmem:$0xDC0] =	vst v59;
	(pc) =	sbr.rel @p0 .LBB2_1-.Ltmp0, $4  }
0x97: {  	[hbm4b:s8+s4] =	stream.linear.scatter [tilespmem:s16], [sflag:$0x2], $0x200, $0x38;
	[tilespmem:$0xE00] =	vst v63  }
0x98: {  	_ =	swait.ge [sflag:s17], $0x200  }
0x99: {  	[sflag:s17] =	ssyncset.done $0x0  }
0x9a: {  	s9 =	sadd.s32 $0xFFFFFFFF, s9;
	[sflag:s17] =	ssyncadd.s32 $0xFFFFFE00  }
0x9b: {  	_ =	sfence.sel $0x180000  }
0x9c: {  	[bflag:$0x0] =	sbarrier.arrive $0xFFFF  }
0x9d: {  	p0 =	sne.s32 s3, $0x0;
	_ =	strace $0x90000047  }
0x9e: {  	s0 =	sadd.s32 @!p0 $0x100000, s0;
	[bflag:$0x2] =	sbarrier.arrive $0xFFFF  }
0x9f: {  	[sflag:s0] =	ssyncadd.tile.s32 @!p0 $0x1;
	_ =	shalt  }
.Lfunc_end2:
_tile_overlayer_lowered:
.L_overlay_start_2:
0xa0: {  	(tag) =	ssettag $0x2  }
0xa1: {  	s0 =	rddreg [dreg:$0x0];
	s2 =	stileid.u32  }
0xa2: {  	s1 =	rddreg [dreg:$0x1];
	p0 =	sne.s32 s2, $0x0  }
0xa3: {  	s3 =	rddreg [dreg:$0x2];
	[bflag:$0x3] =	sbarrier.arrive $0xFFFF;
	s2 =	simm.s32 @!p0 $0x1C02  }
0xa4: {  	[timem:s3], [sflag:s2] =	dma.local @!p0 [hbm:s0], s1  }
0xa5: {  	s0 =	simm.s32 @!p0 $0x2  }
0xa6: {  	_ =	swait.ge @!p0 [sflag:s0], s1  }
0xa7: {  	s1 =	ssub.s32 @!p0 $0x0, s1;
	[sflag:s0] =	ssyncset.done @!p0 $0x0  }
0xa8: {  	[sflag:s0] =	ssyncadd.s32 @!p0 s1  }
0xa9: {  	[bflag:$0x3] =	sbarrier.arrive $0xFFFF  }
0xaa: {  	_ =	shalt  }

</sc_bundles>
